<compile_context>
chip_gen: v7x
topology: tpu7x:2x2x1
jax: 0.10.2.dev20260603
libtpu: 0.0.44.dev20260713+nightly
codegen_flags: <defaults>
</compile_context>

<pallas_src>
import functools

import jax
import jax.numpy as jnp
from jax import lax
from jax.experimental import pallas as pl
from jax.experimental.pallas import tpu as pltpu
from jax.experimental.pallas import tpu_sc as plsc

_NC, _NS, _L = 2, 16, 16
_NW = _NC * _NS
_CHUNK = 128
_D = 128

_f32 = jnp.float32
_i32 = jnp.int32


def _mesh():
    return plsc.VectorSubcoreMesh(
        core_axis_name="c", subcore_axis_name="s",
        num_cores=_NC, num_subcores=_NS)


def _deg_sc(col3, npad):
    steps = col3.shape[1]
    rpt = npad // _NS

    @functools.partial(
        pl.kernel,
        out_type=jax.ShapeDtypeStruct((_NC * npad,), _f32),
        mesh=_mesh(),
        scratch_types=[
            pltpu.VMEM((steps, _CHUNK), _i32),
            pltpu.VMEM((_CHUNK,), _f32),
            pltpu.VMEM((rpt,), _f32),
            pltpu.VMEM_SHARED((npad,), _f32),
        ],
    )
    def k(col_hbm, deg_hbm, cidx, ones_v, zbuf, deg_sh):
        cid = lax.axis_index("c")
        sid = lax.axis_index("s")
        wid = sid * _NC + cid

        def fill_ones(i, c):
            ones_v[pl.ds(i * _L, _L)] = jnp.ones((_L,), _f32)
            return c
        lax.fori_loop(0, _CHUNK // _L, fill_ones, 0)

        def fill_zeros(i, c):
            zbuf[pl.ds(i * _L, _L)] = jnp.zeros((_L,), _f32)
            return c
        lax.fori_loop(0, rpt // _L, fill_zeros, 0)
        pltpu.sync_copy(zbuf, deg_sh.at[pl.ds(sid * rpt, rpt)])
        pltpu.sync_copy(col_hbm.at[wid], cidx)
        plsc.subcore_barrier()

        def step(i, c):
            pltpu.sync_copy(ones_v, deg_sh.at[cidx.at[i]], add=True)
            return c
        lax.fori_loop(0, steps, step, 0)
        plsc.subcore_barrier()

        pltpu.sync_copy(deg_sh.at[pl.ds(sid * rpt, rpt)],
                        deg_hbm.at[pl.ds(cid * npad + sid * rpt, rpt)])

    return k(col3)


def _linear_tc(seq, W, dega, degb):
    n = seq.shape[0]
    blk = 1000

    def body(seq_ref, w_ref, da_ref, db_ref, y_ref, dis_ref):
        deg = da_ref[...] + db_ref[...] + 1.0
        dis = lax.rsqrt(deg)
        x = lax.dot_general(seq_ref[...], w_ref[...],
                            (((1,), (1,)), ((), ())),
                            preferred_element_type=_f32)
        y_ref[...] = x * dis
        dis_ref[...] = dis

    return pl.pallas_call(
        body,
        grid=(n // blk,),
        in_specs=[
            pl.BlockSpec((blk, _D), lambda i: (i, 0)),
            pl.BlockSpec((_D, _D), lambda i: (0, 0)),
            pl.BlockSpec((blk, 1), lambda i: (i, 0)),
            pl.BlockSpec((blk, 1), lambda i: (i, 0)),
        ],
        out_specs=[
            pl.BlockSpec((blk, _D), lambda i: (i, 0)),
            pl.BlockSpec((blk, 1), lambda i: (i, 0)),
        ],
        out_shape=[
            jax.ShapeDtypeStruct((n, _D), _f32),
            jax.ShapeDtypeStruct((n, 1), _f32),
        ],
    )(seq, W, dega, degb)


def _scatter_sc(y, row3, col3, npad):
    steps = row3.shape[1]
    gchunk = row3.shape[2]
    nbuf = 4
    seg = steps // 4
    nseg = steps // seg
    ngrp = seg // nbuf
    rpt = npad // _NS

    @functools.partial(
        pl.kernel,
        out_type=jax.ShapeDtypeStruct((_NC * npad, _D), _f32),
        mesh=_mesh(),
        scratch_types=[
            pltpu.VMEM((seg, gchunk), _i32),
            pltpu.VMEM((seg, gchunk), _i32),
        ] + [pltpu.VMEM((gchunk, _D), _f32)] * nbuf + [
            pltpu.VMEM_SHARED((npad, _D), _f32),
        ] + [pltpu.SemaphoreType.DMA] * nbuf,
    )
    def k(y_hbm, row_hbm, col_hbm, out_hbm, ridx, cidx, *rest):
        rows = rest[:nbuf]
        acc = rest[nbuf]
        sems = rest[nbuf + 1:]
        r0 = rows[0]
        cid = lax.axis_index("c")
        sid = lax.axis_index("s")
        wid = sid * _NC + cid

        def zrow(r, c):
            def zlane(j, c2):
                r0[r, pl.ds(j * _L, _L)] = jnp.zeros((_L,), _f32)
                return c2
            return lax.fori_loop(0, _D // _L, zlane, c)
        lax.fori_loop(0, gchunk, zrow, 0)

        def zacc(i, c):
            pltpu.sync_copy(r0, acc.at[pl.ds(sid * rpt + i * gchunk, gchunk)])
            return c
        lax.fori_loop(0, rpt // gchunk, zacc, 0)
        plsc.subcore_barrier()

        def seg_body(s, c):
            pltpu.sync_copy(row_hbm.at[wid, pl.ds(s * seg, seg)], ridx)
            pltpu.sync_copy(col_hbm.at[wid, pl.ds(s * seg, seg)], cidx)
            for b in range(nbuf):
                pltpu.async_copy(y_hbm.at[ridx.at[b]], rows[b], sems[b])
            def group(g, c2):
                base = g * nbuf
                for b in range(nbuf):
                    i = base + b
                    pltpu.make_async_copy(
                        y_hbm.at[ridx.at[i]], rows[b], sems[b]).wait()
                    pltpu.sync_copy(rows[b], acc.at[cidx.at[i]], add=True)
                    @pl.when(g < ngrp - 1)
                    def _():
                        pltpu.async_copy(
                            y_hbm.at[ridx.at[i + nbuf]], rows[b], sems[b])
                return c2
            lax.fori_loop(0, ngrp, group, 0)
            return c
        lax.fori_loop(0, nseg, seg_body, 0)
        plsc.subcore_barrier()

        pltpu.sync_copy(acc.at[pl.ds(sid * rpt, rpt)],
                        out_hbm.at[pl.ds(cid * npad + sid * rpt, rpt)])

    return k(y, row3, col3)


def _finish_tc(acc0, acc1, y, dis, b2, pw2):
    n = y.shape[0]
    blk = 1000

    def body(a0_ref, a1_ref, y_ref, dis_ref, b_ref, pw_ref, out_ref):
        s = dis_ref[...] * (a0_ref[...] + a1_ref[...] + y_ref[...]) + b_ref[...]
        out_ref[...] = jnp.where(s >= 0, s, pw_ref[...] * s)

    return pl.pallas_call(
        body,
        grid=(n // blk,),
        in_specs=[
            pl.BlockSpec((blk, _D), lambda i: (i, 0)),
            pl.BlockSpec((blk, _D), lambda i: (i, 0)),
            pl.BlockSpec((blk, _D), lambda i: (i, 0)),
            pl.BlockSpec((blk, 1), lambda i: (i, 0)),
            pl.BlockSpec((1, _D), lambda i: (0, 0)),
            pl.BlockSpec((1, 1), lambda i: (0, 0)),
        ],
        out_specs=pl.BlockSpec((blk, _D), lambda i: (i, 0)),
        out_shape=jax.ShapeDtypeStruct((n, _D), _f32),
    )(acc0, acc1, y, dis, b2, pw2)


def kernel(seq, adj, W, b, prelu_w):
    n = seq.shape[0]
    row = adj[0].astype(_i32)
    col = adj[1].astype(_i32)
    e = row.shape[0]

    npad = ((n + _NS * _L - 1) // (_NS * _L)) * (_NS * _L)
    gchunk = 64
    egrp = _NW * gchunk * 16
    epad = (-e) % egrp
    row_p = jnp.concatenate([row, jnp.zeros((epad,), _i32)])
    col_p = jnp.concatenate([col, jnp.full((epad,), n, _i32)])
    dsteps = (e + epad) // (_NW * _CHUNK)
    gsteps = (e + epad) // (_NW * gchunk)

    deg2 = _deg_sc(col_p.reshape(_NW, dsteps, _CHUNK), npad)
    dega = deg2[:n, None]
    degb = deg2[npad:npad + n, None]

    y, dis = _linear_tc(seq, W, dega, degb)

    accs = _scatter_sc(y, row_p.reshape(_NW, gsteps, gchunk),
                       col_p.reshape(_NW, gsteps, gchunk), npad)

    return _finish_tc(accs[:n], accs[npad:npad + n], y, dis,
                      b.reshape(1, _D), prelu_w.reshape(1, 1))

# --- scband reference (transcript-rebuilt; emitter-appended) ---
"""Pipeline reference for scband-gcn-15393162789067 (READ-ONLY COPY).

The authoritative reference and input builder live on the scoring server;
editing this copy changes nothing except your own understanding.
"""

import jax, jax.numpy as jnp
import numpy as np

N_NODES = 10000
N_EDGES = 320000
D_IN = 128
D_OUT = 128


def setup_inputs(seed: int = 0) -> dict:
    key = jax.random.key(seed)
    k1, k2, k3, k4 = jax.random.split(key, 4)
    seq = jax.random.normal(k1, (N_NODES, D_IN), dtype=jnp.float32)
    adj = jax.random.randint(k2, (2, N_EDGES), 0, N_NODES, dtype=jnp.int64)
    # GCNConv linear weight (out_ft, in_ft), glorot-style init
    limit = float(np.sqrt(6.0 / (D_IN + D_OUT)))
    W = jax.random.uniform(k3, (D_OUT, D_IN), dtype=jnp.float32, minval=-limit, maxval=limit)
    b = jnp.zeros((D_OUT,), dtype=jnp.float32)
    prelu_w = jnp.full((1,), 0.25, dtype=jnp.float32)
    return {"seq": seq, "adj": adj, "W": W, "b": b, "prelu_w": prelu_w}


def reference(seq, adj, W, b, prelu_w):
    N = seq.shape[0]
    row = adj[0]
    col = adj[1]
    # add self-loops (PyG GCNConv default add_self_loops=True)
    loop = jnp.arange(N, dtype=adj.dtype)
    row = jnp.concatenate([row, loop], axis=0)
    col = jnp.concatenate([col, loop], axis=0)
    edge_weight = jnp.ones(row.shape[0], dtype=seq.dtype)
    # symmetric normalization: deg computed at target (col)
    deg = jnp.zeros((N,), dtype=seq.dtype).at[col].add(edge_weight)
    deg_inv_sqrt = jnp.where(deg > 0, deg ** -0.5, 0.0)
    norm = deg_inv_sqrt[row] * deg_inv_sqrt[col]
    # linear transform first (lin has no bias inside GCNConv)
    x = seq @ W.T
    # message passing: gather from source, scatter-add to target
    msg = x[row] * norm[:, None]
    out = jnp.zeros((N, x.shape[1]), dtype=seq.dtype).at[col].add(msg)
    out = out + b
    # PReLU with weight 0.25
    out = jnp.where(out >= 0, out, prelu_w * out)
    return out

if __name__ == "__main__":
    import jax
    _d = setup_inputs()
    print(jax.jit(kernel)(*tuple(_d.values())))

</pallas_src>

<mosaic_0001>
#map = affine_map<(d0, d1) -> (0, 0, 0)>
#map1 = affine_map<(d0, d1) -> (0)>
module attributes {stable_mosaic.version = 14 : i64} {
  func.func @k(%arg0: i32, %arg1: i32, %arg2: memref<32x80x128xi32, #tpu.memory_space<hbm>>, %arg3: memref<20480xf32, #tpu.memory_space<hbm>>, %arg4: memref<80x128xi32, #tpu.memory_space<vmem>>, %arg5: memref<128xf32, #tpu.memory_space<vmem>>, %arg6: memref<640xf32, #tpu.memory_space<vmem>>, %arg7: memref<10240xf32, #tpu.memory_space<vmem_shared>>) attributes {dimension_semantics = [#tpu.dimension_semantics<core_parallel>, #tpu.dimension_semantics<subcore_parallel>], iteration_bounds = array<i64: 2, 16>, scalar_prefetch = 0 : i64, scratch_operands = 4 : i64, tpu.core_type = #tpu.core_type<sc_vector_subcore>, window_params = [{transform_indices = #map}, {transform_indices = #map1}]} {
    %mul3A = arith.constant 2 : i32
    %mul3A_0 = arith.muli %arg1, %mul3A : i32
    %add3A = arith.addi %mul3A_0, %arg0 : i32
    %scan3A = arith.constant 0 : i32
    %scan3A_1 = arith.constant 0 : i32
    %scan3A_2 = arith.constant 8 : i32
    %scan3A_3 = arith.addi %scan3A_1, %scan3A_2 : i32
    %scan3A_4 = arith.constant 1 : i32
    scf.for %scan3A_28 = %scan3A_1 to %scan3A_3 step %scan3A_4  : i32 {
      %broadcast_in_dim3A = arith.constant 1.000000e+00 : f32
      %broadcast_in_dim3A_29 = vector.broadcast %broadcast_in_dim3A : f32 to vector<16xf32>
      %mul3A_30 = arith.constant 16 : i32
      %mul3A_31 = arith.muli %scan3A_28, %mul3A_30 : i32
      %swap3A = arith.index_cast %mul3A_31 : i32 to index
      %swap3A_32 = tpu.vector_load %arg5[%swap3A] {strides = array<i32>} : memref<128xf32, #tpu.memory_space<vmem>>, vector<16xf32>,
      %swap3A_33 = vector.shape_cast %swap3A_32 : vector<16xf32> to vector<16xf32>
      %swap3A_34 = vector.shape_cast %broadcast_in_dim3A_29 : vector<16xf32> to vector<16xf32>
      tpu.vector_store %arg5[%swap3A], %swap3A_34 {strides = array<i32>} : memref<128xf32, #tpu.memory_space<vmem>>, vector<16xf32>,
    }
    %scan3A_5 = arith.constant 8 : i32
    %scan3A_6 = arith.constant 0 : i32
    %scan3A_7 = arith.constant 0 : i32
    %scan3A_8 = arith.constant 40 : i32
    %scan3A_9 = arith.addi %scan3A_7, %scan3A_8 : i32
    %scan3A_10 = arith.constant 1 : i32
    scf.for %scan3A_28 = %scan3A_7 to %scan3A_9 step %scan3A_10  : i32 {
      %broadcast_in_dim3A = arith.constant 0.000000e+00 : f32
      %broadcast_in_dim3A_29 = vector.broadcast %broadcast_in_dim3A : f32 to vector<16xf32>
      %mul3A_30 = arith.constant 16 : i32
      %mul3A_31 = arith.muli %scan3A_28, %mul3A_30 : i32
      %swap3A = arith.index_cast %mul3A_31 : i32 to index
      %swap3A_32 = tpu.vector_load %arg6[%swap3A] {strides = array<i32>} : memref<640xf32, #tpu.memory_space<vmem>>, vector<16xf32>,
      %swap3A_33 = vector.shape_cast %swap3A_32 : vector<16xf32> to vector<16xf32>
      %swap3A_34 = vector.shape_cast %broadcast_in_dim3A_29 : vector<16xf32> to vector<16xf32>
      tpu.vector_store %arg6[%swap3A], %swap3A_34 {strides = array<i32>} : memref<640xf32, #tpu.memory_space<vmem>>, vector<16xf32>,
    }
    %scan3A_11 = arith.constant 40 : i32
    %mul3A_12 = arith.constant 640 : i32
    %mul3A_13 = arith.muli %arg1, %mul3A_12 : i32
    "tpu.region"() ({
      %run_scoped3A = tpu.sem_alloc : memref<!tpu.dma_semaphore, #tpu.memory_space<semaphore_mem>>
      %dma_start3A = tpu.memref_slice %arg7[%mul3A_13] : memref<10240xf32, #tpu.memory_space<vmem_shared>> -> memref<640xf32, #tpu.memory_space<vmem_shared>>
      %dma_start3A_28 = tpu.memref_slice %arg7[%mul3A_13] : memref<10240xf32, #tpu.memory_space<vmem_shared>> -> memref<640xf32, #tpu.memory_space<vmem_shared>>
      tpu.enqueue_dma source(%arg6 : memref<640xf32, #tpu.memory_space<vmem>>) target(%dma_start3A_28 : memref<640xf32, #tpu.memory_space<vmem_shared>>) target_semaphore(%run_scoped3A : memref<!tpu.dma_semaphore, #tpu.memory_space<semaphore_mem>>)
      %dma_wait3A = tpu.memref_slice %arg7[%mul3A_13] : memref<10240xf32, #tpu.memory_space<vmem_shared>> -> memref<640xf32, #tpu.memory_space<vmem_shared>>
      %dma_wait3A_29 = tpu.memref_slice %arg7[%mul3A_13] : memref<10240xf32, #tpu.memory_space<vmem_shared>> -> memref<640xf32, #tpu.memory_space<vmem_shared>>
      tpu.wait_dma2 semaphore(%run_scoped3A : memref<!tpu.dma_semaphore, #tpu.memory_space<semaphore_mem>>) src(%arg6 : memref<640xf32, #tpu.memory_space<vmem>>) dst(%dma_wait3A_29 : memref<640xf32, #tpu.memory_space<vmem_shared>>)
      tpu.yield
    }) : () -> ()
    "tpu.region"() ({
      %run_scoped3A = tpu.sem_alloc : memref<!tpu.dma_semaphore, #tpu.memory_space<semaphore_mem>>
      %dma_start3A = arith.constant 0 : i32
      %dma_start3A_28 = arith.constant 0 : i32
      %dma_start3A_29 = tpu.memref_slice %arg2[%add3A, %dma_start3A, %dma_start3A_28] : memref<32x80x128xi32, #tpu.memory_space<hbm>> -> memref<1x80x128xi32, #tpu.memory_space<hbm>>
      %dma_start3A_30 = tpu.memref_squeeze %dma_start3A_29 : memref<1x80x128xi32, #tpu.memory_space<hbm>> -> memref<80x128xi32, #tpu.memory_space<hbm>>
      %dma_start3A_31 = arith.constant 0 : i32
      %dma_start3A_32 = arith.constant 0 : i32
      %dma_start3A_33 = tpu.memref_slice %arg2[%add3A, %dma_start3A_31, %dma_start3A_32] : memref<32x80x128xi32, #tpu.memory_space<hbm>> -> memref<1x80x128xi32, #tpu.memory_space<hbm>>
      %dma_start3A_34 = tpu.memref_squeeze %dma_start3A_33 : memref<1x80x128xi32, #tpu.memory_space<hbm>> -> memref<80x128xi32, #tpu.memory_space<hbm>>
      tpu.enqueue_dma source(%dma_start3A_34 : memref<80x128xi32, #tpu.memory_space<hbm>>) target(%arg4 : memref<80x128xi32, #tpu.memory_space<vmem>>) target_semaphore(%run_scoped3A : memref<!tpu.dma_semaphore, #tpu.memory_space<semaphore_mem>>)
      %dma_wait3A = arith.constant 0 : i32
      %dma_wait3A_35 = arith.constant 0 : i32
      %dma_wait3A_36 = tpu.memref_slice %arg2[%add3A, %dma_wait3A, %dma_wait3A_35] : memref<32x80x128xi32, #tpu.memory_space<hbm>> -> memref<1x80x128xi32, #tpu.memory_space<hbm>>
      %dma_wait3A_37 = tpu.memref_squeeze %dma_wait3A_36 : memref<1x80x128xi32, #tpu.memory_space<hbm>> -> memref<80x128xi32, #tpu.memory_space<hbm>>
      %dma_wait3A_38 = arith.constant 0 : i32
      %dma_wait3A_39 = arith.constant 0 : i32
      %dma_wait3A_40 = tpu.memref_slice %arg2[%add3A, %dma_wait3A_38, %dma_wait3A_39] : memref<32x80x128xi32, #tpu.memory_space<hbm>> -> memref<1x80x128xi32, #tpu.memory_space<hbm>>
      %dma_wait3A_41 = tpu.memref_squeeze %dma_wait3A_40 : memref<1x80x128xi32, #tpu.memory_space<hbm>> -> memref<80x128xi32, #tpu.memory_space<hbm>>
      tpu.wait_dma2 semaphore(%run_scoped3A : memref<!tpu.dma_semaphore, #tpu.memory_space<semaphore_mem>>) src(%dma_wait3A_41 : memref<80x128xi32, #tpu.memory_space<hbm>>) dst(%arg4 : memref<80x128xi32, #tpu.memory_space<vmem>>)
      tpu.yield
    }) : () -> ()
    %barrier3A = arith.constant 0 : index
    tpu.barrier barrier_id(%barrier3A)
    %scan3A_14 = arith.constant 0 : i32
    %scan3A_15 = arith.constant 0 : i32
    %scan3A_16 = arith.constant 80 : i32
    %scan3A_17 = arith.addi %scan3A_15, %scan3A_16 : i32
    %scan3A_18 = arith.constant 1 : i32
    scf.for %scan3A_28 = %scan3A_15 to %scan3A_17 step %scan3A_18  : i32 {
      "tpu.region"() ({
        %run_scoped3A = tpu.sem_alloc : memref<!tpu.dma_semaphore, #tpu.memory_space<semaphore_mem>>
        %dma_start3A = arith.constant 0 : i32
        %dma_start3A_29 = tpu.memref_slice %arg4[%scan3A_28, %dma_start3A] : memref<80x128xi32, #tpu.memory_space<vmem>> -> memref<1x128xi32, #tpu.memory_space<vmem>>
        %dma_start3A_30 = tpu.memref_squeeze %dma_start3A_29 : memref<1x128xi32, #tpu.memory_space<vmem>> -> memref<128xi32, #tpu.memory_space<vmem>>
        %dma_start3A_31 = arith.constant 0 : i32
        %dma_start3A_32 = tpu.memref_slice %arg7[%dma_start3A_31] : memref<10240xf32, #tpu.memory_space<vmem_shared>> -> memref<10240xf32, #tpu.memory_space<vmem_shared>>
        tpu.enqueue_indirect_dma source(%arg5 : memref<128xf32, #tpu.memory_space<vmem>>) target(%dma_start3A_32 : memref<10240xf32, #tpu.memory_space<vmem_shared>>) offsets(%dma_start3A_30 : memref<128xi32, #tpu.memory_space<vmem>>) semaphore(%run_scoped3A : memref<!tpu.dma_semaphore, #tpu.memory_space<semaphore_mem>>) {add = true}
        %dma_wait3A = arith.constant 0 : i32
        %dma_wait3A_33 = tpu.memref_slice %arg4[%scan3A_28, %dma_wait3A] : memref<80x128xi32, #tpu.memory_space<vmem>> -> memref<1x128xi32, #tpu.memory_space<vmem>>
        %dma_wait3A_34 = tpu.memref_squeeze %dma_wait3A_33 : memref<1x128xi32, #tpu.memory_space<vmem>> -> memref<128xi32, #tpu.memory_space<vmem>>
        %dma_wait3A_35 = arith.constant 0 : i32
        %dma_wait3A_36 = tpu.memref_slice %arg7[%dma_wait3A_35] : memref<10240xf32, #tpu.memory_space<vmem_shared>> -> memref<10240xf32, #tpu.memory_space<vmem_shared>>
        tpu.wait_indirect_dma semaphore(%run_scoped3A : memref<!tpu.dma_semaphore, #tpu.memory_space<semaphore_mem>>) src(%arg5 : memref<128xf32, #tpu.memory_space<vmem>>) dst(%dma_wait3A_36 : memref<10240xf32, #tpu.memory_space<vmem_shared>>)
        tpu.yield
      }) : () -> ()
    }
    %scan3A_19 = arith.constant 80 : i32
    %barrier3A_20 = arith.constant 0 : index
    tpu.barrier barrier_id(%barrier3A_20)
    %mul3A_21 = arith.constant 640 : i32
    %mul3A_22 = arith.muli %arg1, %mul3A_21 : i32
    %mul3A_23 = arith.constant 10240 : i32
    %mul3A_24 = arith.muli %arg0, %mul3A_23 : i32
    %mul3A_25 = arith.constant 640 : i32
    %mul3A_26 = arith.muli %arg1, %mul3A_25 : i32
    %add3A_27 = arith.addi %mul3A_24, %mul3A_26 : i32
    "tpu.region"() ({
      %run_scoped3A = tpu.sem_alloc : memref<!tpu.dma_semaphore, #tpu.memory_space<semaphore_mem>>
      %dma_start3A = tpu.memref_slice %arg3[%add3A_27] : memref<20480xf32, #tpu.memory_space<hbm>> -> memref<640xf32, #tpu.memory_space<hbm>>
      %dma_start3A_28 = tpu.memref_slice %arg7[%mul3A_22] : memref<10240xf32, #tpu.memory_space<vmem_shared>> -> memref<640xf32, #tpu.memory_space<vmem_shared>>
      tpu.enqueue_dma source(%dma_start3A_28 : memref<640xf32, #tpu.memory_space<vmem_shared>>) target(%dma_start3A : memref<640xf32, #tpu.memory_space<hbm>>) target_semaphore(%run_scoped3A : memref<!tpu.dma_semaphore, #tpu.memory_space<semaphore_mem>>)
      %dma_wait3A = tpu.memref_slice %arg3[%add3A_27] : memref<20480xf32, #tpu.memory_space<hbm>> -> memref<640xf32, #tpu.memory_space<hbm>>
      %dma_wait3A_29 = tpu.memref_slice %arg7[%mul3A_22] : memref<10240xf32, #tpu.memory_space<vmem_shared>> -> memref<640xf32, #tpu.memory_space<vmem_shared>>
      tpu.wait_dma2 semaphore(%run_scoped3A : memref<!tpu.dma_semaphore, #tpu.memory_space<semaphore_mem>>) src(%dma_wait3A_29 : memref<640xf32, #tpu.memory_space<vmem_shared>>) dst(%dma_wait3A : memref<640xf32, #tpu.memory_space<hbm>>)
      tpu.yield
    }) : () -> ()
    return
  }
}

#map = affine_map<(d0, d1) -> (0, 0)>
#map1 = affine_map<(d0, d1) -> (0, 0, 0)>
module attributes {stable_mosaic.version = 14 : i64} {
  func.func @k(%arg0: i32, %arg1: i32, %arg2: memref<10000x128xf32, #tpu.memory_space<hbm>>, %arg3: memref<32x160x64xi32, #tpu.memory_space<hbm>>, %arg4: memref<32x160x64xi32, #tpu.memory_space<hbm>>, %arg5: memref<20480x128xf32, #tpu.memory_space<hbm>>, %arg6: memref<40x64xi32, #tpu.memory_space<vmem>>, %arg7: memref<40x64xi32, #tpu.memory_space<vmem>>, %arg8: memref<64x128xf32, #tpu.memory_space<vmem>>, %arg9: memref<64x128xf32, #tpu.memory_space<vmem>>, %arg10: memref<64x128xf32, #tpu.memory_space<vmem>>, %arg11: memref<64x128xf32, #tpu.memory_space<vmem>>, %arg12: memref<10240x128xf32, #tpu.memory_space<vmem_shared>>, %arg13: memref<!tpu.dma_semaphore, #tpu.memory_space<semaphore_mem>>, %arg14: memref<!tpu.dma_semaphore, #tpu.memory_space<semaphore_mem>>, %arg15: memref<!tpu.dma_semaphore, #tpu.memory_space<semaphore_mem>>, %arg16: memref<!tpu.dma_semaphore, #tpu.memory_space<semaphore_mem>>) attributes {dimension_semantics = [#tpu.dimension_semantics<core_parallel>, #tpu.dimension_semantics<subcore_parallel>], iteration_bounds = array<i64: 2, 16>, scalar_prefetch = 0 : i64, scratch_operands = 11 : i64, tpu.core_type = #tpu.core_type<sc_vector_subcore>, window_params = [{transform_indices = #map}, {transform_indices = #map1}, {transform_indices = #map1}, {transform_indices = #map}]} {
    %mul3A = arith.constant 2 : i32
    %mul3A_0 = arith.muli %arg1, %mul3A : i32
    %add3A = arith.addi %mul3A_0, %arg0 : i32
    %scan3A = arith.constant 0 : i32
    %scan3A_1 = arith.constant 0 : i32
    %scan3A_2 = arith.constant 64 : i32
    %scan3A_3 = arith.addi %scan3A_1, %scan3A_2 : i32
    %scan3A_4 = arith.constant 1 : i32
    scf.for %scan3A_26 = %scan3A_1 to %scan3A_3 step %scan3A_4  : i32 {
      %scan3A_27 = arith.constant 0 : i32
      %scan3A_28 = arith.constant 8 : i32
      %scan3A_29 = arith.addi %scan3A_27, %scan3A_28 : i32
      %scan3A_30 = arith.constant 1 : i32
      scf.for %scan3A_32 = %scan3A_27 to %scan3A_29 step %scan3A_30  : i32 {
        %broadcast_in_dim3A = arith.constant 0.000000e+00 : f32
        %broadcast_in_dim3A_33 = vector.broadcast %broadcast_in_dim3A : f32 to vector<16xf32>
        %mul3A_34 = arith.constant 16 : i32
        %mul3A_35 = arith.muli %scan3A_32, %mul3A_34 : i32
        %swap3A = arith.index_cast %scan3A_26 : i32 to index
        %swap3A_36 = arith.index_cast %mul3A_35 : i32 to index
        %swap3A_37 = tpu.vector_load %arg8[%swap3A, %swap3A_36] {strides = array<i32>} : memref<64x128xf32, #tpu.memory_space<vmem>>, vector<1x16xf32>,
        %swap3A_38 = vector.shape_cast %swap3A_37 : vector<1x16xf32> to vector<16xf32>
        %swap3A_39 = vector.shape_cast %broadcast_in_dim3A_33 : vector<16xf32> to vector<1x16xf32>
        tpu.vector_store %arg8[%swap3A, %swap3A_36], %swap3A_39 {strides = array<i32>} : memref<64x128xf32, #tpu.memory_space<vmem>>, vector<1x16xf32>,
      }
      %scan3A_31 = arith.constant 8 : i32
    }
    %scan3A_5 = arith.constant 64 : i32
    %scan3A_6 = arith.constant 0 : i32
    %scan3A_7 = arith.constant 0 : i32
    %scan3A_8 = arith.constant 10 : i32
    %scan3A_9 = arith.addi %scan3A_7, %scan3A_8 : i32
    %scan3A_10 = arith.constant 1 : i32
    scf.for %scan3A_26 = %scan3A_7 to %scan3A_9 step %scan3A_10  : i32 {
      %mul3A_27 = arith.constant 640 : i32
      %mul3A_28 = arith.muli %arg1, %mul3A_27 : i32
      %mul3A_29 = arith.constant 64 : i32
      %mul3A_30 = arith.muli %scan3A_26, %mul3A_29 : i32
      %add3A_31 = arith.addi %mul3A_28, %mul3A_30 : i32
      "tpu.region"() ({
        %run_scoped3A = tpu.sem_alloc : memref<!tpu.dma_semaphore, #tpu.memory_space<semaphore_mem>>
        %dma_start3A = arith.constant 0 : i32
        %dma_start3A_32 = tpu.memref_slice %arg12[%add3A_31, %dma_start3A] : memref<10240x128xf32, #tpu.memory_space<vmem_shared>> -> memref<64x128xf32, #tpu.memory_space<vmem_shared>>
        %dma_start3A_33 = arith.constant 0 : i32
        %dma_start3A_34 = tpu.memref_slice %arg12[%add3A_31, %dma_start3A_33] : memref<10240x128xf32, #tpu.memory_space<vmem_shared>> -> memref<64x128xf32, #tpu.memory_space<vmem_shared>>
        tpu.enqueue_dma source(%arg8 : memref<64x128xf32, #tpu.memory_space<vmem>>) target(%dma_start3A_34 : memref<64x128xf32, #tpu.memory_space<vmem_shared>>) target_semaphore(%run_scoped3A : memref<!tpu.dma_semaphore, #tpu.memory_space<semaphore_mem>>)
        %dma_wait3A = arith.constant 0 : i32
        %dma_wait3A_35 = tpu.memref_slice %arg12[%add3A_31, %dma_wait3A] : memref<10240x128xf32, #tpu.memory_space<vmem_shared>> -> memref<64x128xf32, #tpu.memory_space<vmem_shared>>
        %dma_wait3A_36 = arith.constant 0 : i32
        %dma_wait3A_37 = tpu.memref_slice %arg12[%add3A_31, %dma_wait3A_36] : memref<10240x128xf32, #tpu.memory_space<vmem_shared>> -> memref<64x128xf32, #tpu.memory_space<vmem_shared>>
        tpu.wait_dma2 semaphore(%run_scoped3A : memref<!tpu.dma_semaphore, #tpu.memory_space<semaphore_mem>>) src(%arg8 : memref<64x128xf32, #tpu.memory_space<vmem>>) dst(%dma_wait3A_37 : memref<64x128xf32, #tpu.memory_space<vmem_shared>>)
        tpu.yield
      }) : () -> ()
    }
    %scan3A_11 = arith.constant 10 : i32
    %barrier3A = arith.constant 0 : index
    tpu.barrier barrier_id(%barrier3A)
    %scan3A_12 = arith.constant 0 : i32
    %scan3A_13 = arith.constant 0 : i32
    %scan3A_14 = arith.constant 4 : i32
    %scan3A_15 = arith.addi %scan3A_13, %scan3A_14 : i32
    %scan3A_16 = arith.constant 1 : i32
    scf.for %scan3A_26 = %scan3A_13 to %scan3A_15 step %scan3A_16  : i32 {
      %mul3A_27 = arith.constant 40 : i32
      %mul3A_28 = arith.muli %scan3A_26, %mul3A_27 : i32
      "tpu.region"() ({
        %run_scoped3A = tpu.sem_alloc : memref<!tpu.dma_semaphore, #tpu.memory_space<semaphore_mem>>
        %dma_start3A_64 = arith.constant 0 : i32
        %dma_start3A_65 = tpu.memref_slice %arg3[%add3A, %mul3A_28, %dma_start3A_64] : memref<32x160x64xi32, #tpu.memory_space<hbm>> -> memref<1x40x64xi32, #tpu.memory_space<hbm>>
        %dma_start3A_66 = tpu.memref_squeeze %dma_start3A_65 : memref<1x40x64xi32, #tpu.memory_space<hbm>> -> memref<40x64xi32, #tpu.memory_space<hbm>>
        %dma_start3A_67 = arith.constant 0 : i32
        %dma_start3A_68 = tpu.memref_slice %arg3[%add3A, %mul3A_28, %dma_start3A_67] : memref<32x160x64xi32, #tpu.memory_space<hbm>> -> memref<1x40x64xi32, #tpu.memory_space<hbm>>
        %dma_start3A_69 = tpu.memref_squeeze %dma_start3A_68 : memref<1x40x64xi32, #tpu.memory_space<hbm>> -> memref<40x64xi32, #tpu.memory_space<hbm>>
        tpu.enqueue_dma source(%dma_start3A_69 : memref<40x64xi32, #tpu.memory_space<hbm>>) target(%arg6 : memref<40x64xi32, #tpu.memory_space<vmem>>) target_semaphore(%run_scoped3A : memref<!tpu.dma_semaphore, #tpu.memory_space<semaphore_mem>>)
        %dma_wait3A = arith.constant 0 : i32
        %dma_wait3A_70 = tpu.memref_slice %arg3[%add3A, %mul3A_28, %dma_wait3A] : memref<32x160x64xi32, #tpu.memory_space<hbm>> -> memref<1x40x64xi32, #tpu.memory_space<hbm>>
        %dma_wait3A_71 = tpu.memref_squeeze %dma_wait3A_70 : memref<1x40x64xi32, #tpu.memory_space<hbm>> -> memref<40x64xi32, #tpu.memory_space<hbm>>
        %dma_wait3A_72 = arith.constant 0 : i32
        %dma_wait3A_73 = tpu.memref_slice %arg3[%add3A, %mul3A_28, %dma_wait3A_72] : memref<32x160x64xi32, #tpu.memory_space<hbm>> -> memref<1x40x64xi32, #tpu.memory_space<hbm>>
        %dma_wait3A_74 = tpu.memref_squeeze %dma_wait3A_73 : memref<1x40x64xi32, #tpu.memory_space<hbm>> -> memref<40x64xi32, #tpu.memory_space<hbm>>
        tpu.wait_dma2 semaphore(%run_scoped3A : memref<!tpu.dma_semaphore, #tpu.memory_space<semaphore_mem>>) src(%dma_wait3A_74 : memref<40x64xi32, #tpu.memory_space<hbm>>) dst(%arg6 : memref<40x64xi32, #tpu.memory_space<vmem>>)
        tpu.yield
      }) : () -> ()
      %mul3A_29 = arith.constant 40 : i32
      %mul3A_30 = arith.muli %scan3A_26, %mul3A_29 : i32
      "tpu.region"() ({
        %run_scoped3A = tpu.sem_alloc : memref<!tpu.dma_semaphore, #tpu.memory_space<semaphore_mem>>
        %dma_start3A_64 = arith.constant 0 : i32
        %dma_start3A_65 = tpu.memref_slice %arg4[%add3A, %mul3A_30, %dma_start3A_64] : memref<32x160x64xi32, #tpu.memory_space<hbm>> -> memref<1x40x64xi32, #tpu.memory_space<hbm>>
        %dma_start3A_66 = tpu.memref_squeeze %dma_start3A_65 : memref<1x40x64xi32, #tpu.memory_space<hbm>> -> memref<40x64xi32, #tpu.memory_space<hbm>>
        %dma_start3A_67 = arith.constant 0 : i32
        %dma_start3A_68 = tpu.memref_slice %arg4[%add3A, %mul3A_30, %dma_start3A_67] : memref<32x160x64xi32, #tpu.memory_space<hbm>> -> memref<1x40x64xi32, #tpu.memory_space<hbm>>
        %dma_start3A_69 = tpu.memref_squeeze %dma_start3A_68 : memref<1x40x64xi32, #tpu.memory_space<hbm>> -> memref<40x64xi32, #tpu.memory_space<hbm>>
        tpu.enqueue_dma source(%dma_start3A_69 : memref<40x64xi32, #tpu.memory_space<hbm>>) target(%arg7 : memref<40x64xi32, #tpu.memory_space<vmem>>) target_semaphore(%run_scoped3A : memref<!tpu.dma_semaphore, #tpu.memory_space<semaphore_mem>>)
        %dma_wait3A = arith.constant 0 : i32
        %dma_wait3A_70 = tpu.memref_slice %arg4[%add3A, %mul3A_30, %dma_wait3A] : memref<32x160x64xi32, #tpu.memory_space<hbm>> -> memref<1x40x64xi32, #tpu.memory_space<hbm>>
        %dma_wait3A_71 = tpu.memref_squeeze %dma_wait3A_70 : memref<1x40x64xi32, #tpu.memory_space<hbm>> -> memref<40x64xi32, #tpu.memory_space<hbm>>
        %dma_wait3A_72 = arith.constant 0 : i32
        %dma_wait3A_73 = tpu.memref_slice %arg4[%add3A, %mul3A_30, %dma_wait3A_72] : memref<32x160x64xi32, #tpu.memory_space<hbm>> -> memref<1x40x64xi32, #tpu.memory_space<hbm>>
        %dma_wait3A_74 = tpu.memref_squeeze %dma_wait3A_73 : memref<1x40x64xi32, #tpu.memory_space<hbm>> -> memref<40x64xi32, #tpu.memory_space<hbm>>
        tpu.wait_dma2 semaphore(%run_scoped3A : memref<!tpu.dma_semaphore, #tpu.memory_space<semaphore_mem>>) src(%dma_wait3A_74 : memref<40x64xi32, #tpu.memory_space<hbm>>) dst(%arg7 : memref<40x64xi32, #tpu.memory_space<vmem>>)
        tpu.yield
      }) : () -> ()
      %dma_start3A = arith.constant 0 : i32
      %dma_start3A_31 = arith.constant 0 : i32
      %dma_start3A_32 = tpu.memref_slice %arg6[%dma_start3A, %dma_start3A_31] : memref<40x64xi32, #tpu.memory_space<vmem>> -> memref<1x64xi32, #tpu.memory_space<vmem>>
      %dma_start3A_33 = tpu.memref_squeeze %dma_start3A_32 : memref<1x64xi32, #tpu.memory_space<vmem>> -> memref<64xi32, #tpu.memory_space<vmem>>
      %dma_start3A_34 = arith.constant 0 : i32
      %dma_start3A_35 = arith.constant 0 : i32
      %dma_start3A_36 = tpu.memref_slice %arg2[%dma_start3A_34, %dma_start3A_35] : memref<10000x128xf32, #tpu.memory_space<hbm>> -> memref<10000x128xf32, #tpu.memory_space<hbm>>
      tpu.enqueue_indirect_dma source(%dma_start3A_36 : memref<10000x128xf32, #tpu.memory_space<hbm>>) target(%arg8 : memref<64x128xf32, #tpu.memory_space<vmem>>) offsets(%dma_start3A_33 : memref<64xi32, #tpu.memory_space<vmem>>) semaphore(%arg13 : memref<!tpu.dma_semaphore, #tpu.memory_space<semaphore_mem>>)
      %dma_start3A_37 = arith.constant 1 : i32
      %dma_start3A_38 = arith.constant 0 : i32
      %dma_start3A_39 = tpu.memref_slice %arg6[%dma_start3A_37, %dma_start3A_38] : memref<40x64xi32, #tpu.memory_space<vmem>> -> memref<1x64xi32, #tpu.memory_space<vmem>>
      %dma_start3A_40 = tpu.memref_squeeze %dma_start3A_39 : memref<1x64xi32, #tpu.memory_space<vmem>> -> memref<64xi32, #tpu.memory_space<vmem>>
      %dma_start3A_41 = arith.constant 0 : i32
      %dma_start3A_42 = arith.constant 0 : i32
      %dma_start3A_43 = tpu.memref_slice %arg2[%dma_start3A_41, %dma_start3A_42] : memref<10000x128xf32, #tpu.memory_space<hbm>> -> memref<10000x128xf32, #tpu.memory_space<hbm>>
      tpu.enqueue_indirect_dma source(%dma_start3A_43 : memref<10000x128xf32, #tpu.memory_space<hbm>>) target(%arg9 : memref<64x128xf32, #tpu.memory_space<vmem>>) offsets(%dma_start3A_40 : memref<64xi32, #tpu.memory_space<vmem>>) semaphore(%arg14 : memref<!tpu.dma_semaphore, #tpu.memory_space<semaphore_mem>>)
      %dma_start3A_44 = arith.constant 2 : i32
      %dma_start3A_45 = arith.constant 0 : i32
      %dma_start3A_46 = tpu.memref_slice %arg6[%dma_start3A_44, %dma_start3A_45] : memref<40x64xi32, #tpu.memory_space<vmem>> -> memref<1x64xi32, #tpu.memory_space<vmem>>
      %dma_start3A_47 = tpu.memref_squeeze %dma_start3A_46 : memref<1x64xi32, #tpu.memory_space<vmem>> -> memref<64xi32, #tpu.memory_space<vmem>>
      %dma_start3A_48 = arith.constant 0 : i32
      %dma_start3A_49 = arith.constant 0 : i32
      %dma_start3A_50 = tpu.memref_slice %arg2[%dma_start3A_48, %dma_start3A_49] : memref<10000x128xf32, #tpu.memory_space<hbm>> -> memref<10000x128xf32, #tpu.memory_space<hbm>>
      tpu.enqueue_indirect_dma source(%dma_start3A_50 : memref<10000x128xf32, #tpu.memory_space<hbm>>) target(%arg10 : memref<64x128xf32, #tpu.memory_space<vmem>>) offsets(%dma_start3A_47 : memref<64xi32, #tpu.memory_space<vmem>>) semaphore(%arg15 : memref<!tpu.dma_semaphore, #tpu.memory_space<semaphore_mem>>)
      %dma_start3A_51 = arith.constant 3 : i32
      %dma_start3A_52 = arith.constant 0 : i32
      %dma_start3A_53 = tpu.memref_slice %arg6[%dma_start3A_51, %dma_start3A_52] : memref<40x64xi32, #tpu.memory_space<vmem>> -> memref<1x64xi32, #tpu.memory_space<vmem>>
      %dma_start3A_54 = tpu.memref_squeeze %dma_start3A_53 : memref<1x64xi32, #tpu.memory_space<vmem>> -> memref<64xi32, #tpu.memory_space<vmem>>
      %dma_start3A_55 = arith.constant 0 : i32
      %dma_start3A_56 = arith.constant 0 : i32
      %dma_start3A_57 = tpu.memref_slice %arg2[%dma_start3A_55, %dma_start3A_56] : memref<10000x128xf32, #tpu.memory_space<hbm>> -> memref<10000x128xf32, #tpu.memory_space<hbm>>
      tpu.enqueue_indirect_dma source(%dma_start3A_57 : memref<10000x128xf32, #tpu.memory_space<hbm>>) target(%arg11 : memref<64x128xf32, #tpu.memory_space<vmem>>) offsets(%dma_start3A_54 : memref<64xi32, #tpu.memory_space<vmem>>) semaphore(%arg16 : memref<!tpu.dma_semaphore, #tpu.memory_space<semaphore_mem>>)
      %scan3A_58 = arith.constant 0 : i32
      %scan3A_59 = arith.constant 0 : i32
      %scan3A_60 = arith.constant 10 : i32
      %scan3A_61 = arith.addi %scan3A_59, %scan3A_60 : i32
      %scan3A_62 = arith.constant 1 : i32
      scf.for %scan3A_64 = %scan3A_59 to %scan3A_61 step %scan3A_62  : i32 {
        %mul3A_65 = arith.constant 4 : i32
        %mul3A_66 = arith.muli %scan3A_64, %mul3A_65 : i32
        %add3A_67 = arith.constant 0 : i32
        %add3A_68 = arith.addi %mul3A_66, %add3A_67 : i32
        %dma_wait3A = arith.constant 0 : i32
        %dma_wait3A_69 = tpu.memref_slice %arg6[%add3A_68, %dma_wait3A] : memref<40x64xi32, #tpu.memory_space<vmem>> -> memref<1x64xi32, #tpu.memory_space<vmem>>
        %dma_wait3A_70 = tpu.memref_squeeze %dma_wait3A_69 : memref<1x64xi32, #tpu.memory_space<vmem>> -> memref<64xi32, #tpu.memory_space<vmem>>
        %dma_wait3A_71 = arith.constant 0 : i32
        %dma_wait3A_72 = arith.constant 0 : i32
        %dma_wait3A_73 = tpu.memref_slice %arg2[%dma_wait3A_71, %dma_wait3A_72] : memref<10000x128xf32, #tpu.memory_space<hbm>> -> memref<10000x128xf32, #tpu.memory_space<hbm>>
        tpu.wait_indirect_dma semaphore(%arg13 : memref<!tpu.dma_semaphore, #tpu.memory_space<semaphore_mem>>) src(%dma_wait3A_73 : memref<10000x128xf32, #tpu.memory_space<hbm>>) dst(%arg8 : memref<64x128xf32, #tpu.memory_space<vmem>>)
        "tpu.region"() ({
          %run_scoped3A = tpu.sem_alloc : memref<!tpu.dma_semaphore, #tpu.memory_space<semaphore_mem>>
          %dma_start3A_115 = arith.constant 0 : i32
          %dma_start3A_116 = tpu.memref_slice %arg7[%add3A_68, %dma_start3A_115] : memref<40x64xi32, #tpu.memory_space<vmem>> -> memref<1x64xi32, #tpu.memory_space<vmem>>
          %dma_start3A_117 = tpu.memref_squeeze %dma_start3A_116 : memref<1x64xi32, #tpu.memory_space<vmem>> -> memref<64xi32, #tpu.memory_space<vmem>>
          %dma_start3A_118 = arith.constant 0 : i32
          %dma_start3A_119 = arith.constant 0 : i32
          %dma_start3A_120 = tpu.memref_slice %arg12[%dma_start3A_118, %dma_start3A_119] : memref<10240x128xf32, #tpu.memory_space<vmem_shared>> -> memref<10240x128xf32, #tpu.memory_space<vmem_shared>>
          tpu.enqueue_indirect_dma source(%arg8 : memref<64x128xf32, #tpu.memory_space<vmem>>) target(%dma_start3A_120 : memref<10240x128xf32, #tpu.memory_space<vmem_shared>>) offsets(%dma_start3A_117 : memref<64xi32, #tpu.memory_space<vmem>>) semaphore(%run_scoped3A : memref<!tpu.dma_semaphore, #tpu.memory_space<semaphore_mem>>) {add = true}
          %dma_wait3A_121 = arith.constant 0 : i32
          %dma_wait3A_122 = tpu.memref_slice %arg7[%add3A_68, %dma_wait3A_121] : memref<40x64xi32, #tpu.memory_space<vmem>> -> memref<1x64xi32, #tpu.memory_space<vmem>>
          %dma_wait3A_123 = tpu.memref_squeeze %dma_wait3A_122 : memref<1x64xi32, #tpu.memory_space<vmem>> -> memref<64xi32, #tpu.memory_space<vmem>>
          %dma_wait3A_124 = arith.constant 0 : i32
          %dma_wait3A_125 = arith.constant 0 : i32
          %dma_wait3A_126 = tpu.memref_slice %arg12[%dma_wait3A_124, %dma_wait3A_125] : memref<10240x128xf32, #tpu.memory_space<vmem_shared>> -> memref<10240x128xf32, #tpu.memory_space<vmem_shared>>
          tpu.wait_indirect_dma semaphore(%run_scoped3A : memref<!tpu.dma_semaphore, #tpu.memory_space<semaphore_mem>>) src(%arg8 : memref<64x128xf32, #tpu.memory_space<vmem>>) dst(%dma_wait3A_126 : memref<10240x128xf32, #tpu.memory_space<vmem_shared>>)
          tpu.yield
        }) : () -> ()
        %lt3A = arith.constant 9 : i32
        %lt3A_74 = arith.cmpi slt, %scan3A_64, %lt3A : i32
        %convert_element_type3A = arith.extui %lt3A_74 : i1 to i32
        %cond3A = arith.constant 0 : i32
        %cond3A_75 = arith.cmpi ne, %convert_element_type3A, %cond3A : i32
        scf.if %cond3A_75 {
          %add3A_115 = arith.constant 4 : i32
          %add3A_116 = arith.addi %add3A_68, %add3A_115 : i32
          %dma_start3A_117 = arith.constant 0 : i32
          %dma_start3A_118 = tpu.memref_slice %arg6[%add3A_116, %dma_start3A_117] : memref<40x64xi32, #tpu.memory_space<vmem>> -> memref<1x64xi32, #tpu.memory_space<vmem>>
          %dma_start3A_119 = tpu.memref_squeeze %dma_start3A_118 : memref<1x64xi32, #tpu.memory_space<vmem>> -> memref<64xi32, #tpu.memory_space<vmem>>
          %dma_start3A_120 = arith.constant 0 : i32
          %dma_start3A_121 = arith.constant 0 : i32
          %dma_start3A_122 = tpu.memref_slice %arg2[%dma_start3A_120, %dma_start3A_121] : memref<10000x128xf32, #tpu.memory_space<hbm>> -> memref<10000x128xf32, #tpu.memory_space<hbm>>
          tpu.enqueue_indirect_dma source(%dma_start3A_122 : memref<10000x128xf32, #tpu.memory_space<hbm>>) target(%arg8 : memref<64x128xf32, #tpu.memory_space<vmem>>) offsets(%dma_start3A_119 : memref<64xi32, #tpu.memory_space<vmem>>) semaphore(%arg13 : memref<!tpu.dma_semaphore, #tpu.memory_space<semaphore_mem>>)
        } else {
        }
        %add3A_76 = arith.constant 1 : i32
        %add3A_77 = arith.addi %mul3A_66, %add3A_76 : i32
        %dma_wait3A_78 = arith.constant 0 : i32
        %dma_wait3A_79 = tpu.memref_slice %arg6[%add3A_77, %dma_wait3A_78] : memref<40x64xi32, #tpu.memory_space<vmem>> -> memref<1x64xi32, #tpu.memory_space<vmem>>
        %dma_wait3A_80 = tpu.memref_squeeze %dma_wait3A_79 : memref<1x64xi32, #tpu.memory_space<vmem>> -> memref<64xi32, #tpu.memory_space<vmem>>
        %dma_wait3A_81 = arith.constant 0 : i32
        %dma_wait3A_82 = arith.constant 0 : i32
        %dma_wait3A_83 = tpu.memref_slice %arg2[%dma_wait3A_81, %dma_wait3A_82] : memref<10000x128xf32, #tpu.memory_space<hbm>> -> memref<10000x128xf32, #tpu.memory_space<hbm>>
        tpu.wait_indirect_dma semaphore(%arg14 : memref<!tpu.dma_semaphore, #tpu.memory_space<semaphore_mem>>) src(%dma_wait3A_83 : memref<10000x128xf32, #tpu.memory_space<hbm>>) dst(%arg9 : memref<64x128xf32, #tpu.memory_space<vmem>>)
        "tpu.region"() ({
          %run_scoped3A = tpu.sem_alloc : memref<!tpu.dma_semaphore, #tpu.memory_space<semaphore_mem>>
          %dma_start3A_115 = arith.constant 0 : i32
          %dma_start3A_116 = tpu.memref_slice %arg7[%add3A_77, %dma_start3A_115] : memref<40x64xi32, #tpu.memory_space<vmem>> -> memref<1x64xi32, #tpu.memory_space<vmem>>
          %dma_start3A_117 = tpu.memref_squeeze %dma_start3A_116 : memref<1x64xi32, #tpu.memory_space<vmem>> -> memref<64xi32, #tpu.memory_space<vmem>>
          %dma_start3A_118 = arith.constant 0 : i32
          %dma_start3A_119 = arith.constant 0 : i32
          %dma_start3A_120 = tpu.memref_slice %arg12[%dma_start3A_118, %dma_start3A_119] : memref<10240x128xf32, #tpu.memory_space<vmem_shared>> -> memref<10240x128xf32, #tpu.memory_space<vmem_shared>>
          tpu.enqueue_indirect_dma source(%arg9 : memref<64x128xf32, #tpu.memory_space<vmem>>) target(%dma_start3A_120 : memref<10240x128xf32, #tpu.memory_space<vmem_shared>>) offsets(%dma_start3A_117 : memref<64xi32, #tpu.memory_space<vmem>>) semaphore(%run_scoped3A : memref<!tpu.dma_semaphore, #tpu.memory_space<semaphore_mem>>) {add = true}
          %dma_wait3A_121 = arith.constant 0 : i32
          %dma_wait3A_122 = tpu.memref_slice %arg7[%add3A_77, %dma_wait3A_121] : memref<40x64xi32, #tpu.memory_space<vmem>> -> memref<1x64xi32, #tpu.memory_space<vmem>>
          %dma_wait3A_123 = tpu.memref_squeeze %dma_wait3A_122 : memref<1x64xi32, #tpu.memory_space<vmem>> -> memref<64xi32, #tpu.memory_space<vmem>>
          %dma_wait3A_124 = arith.constant 0 : i32
          %dma_wait3A_125 = arith.constant 0 : i32
          %dma_wait3A_126 = tpu.memref_slice %arg12[%dma_wait3A_124, %dma_wait3A_125] : memref<10240x128xf32, #tpu.memory_space<vmem_shared>> -> memref<10240x128xf32, #tpu.memory_space<vmem_shared>>
          tpu.wait_indirect_dma semaphore(%run_scoped3A : memref<!tpu.dma_semaphore, #tpu.memory_space<semaphore_mem>>) src(%arg9 : memref<64x128xf32, #tpu.memory_space<vmem>>) dst(%dma_wait3A_126 : memref<10240x128xf32, #tpu.memory_space<vmem_shared>>)
          tpu.yield
        }) : () -> ()
        %lt3A_84 = arith.constant 9 : i32
        %lt3A_85 = arith.cmpi slt, %scan3A_64, %lt3A_84 : i32
        %convert_element_type3A_86 = arith.extui %lt3A_85 : i1 to i32
        %cond3A_87 = arith.constant 0 : i32
        %cond3A_88 = arith.cmpi ne, %convert_element_type3A_86, %cond3A_87 : i32
        scf.if %cond3A_88 {
          %add3A_115 = arith.constant 4 : i32
          %add3A_116 = arith.addi %add3A_77, %add3A_115 : i32
          %dma_start3A_117 = arith.constant 0 : i32
          %dma_start3A_118 = tpu.memref_slice %arg6[%add3A_116, %dma_start3A_117] : memref<40x64xi32, #tpu.memory_space<vmem>> -> memref<1x64xi32, #tpu.memory_space<vmem>>
          %dma_start3A_119 = tpu.memref_squeeze %dma_start3A_118 : memref<1x64xi32, #tpu.memory_space<vmem>> -> memref<64xi32, #tpu.memory_space<vmem>>
          %dma_start3A_120 = arith.constant 0 : i32
          %dma_start3A_121 = arith.constant 0 : i32
          %dma_start3A_122 = tpu.memref_slice %arg2[%dma_start3A_120, %dma_start3A_121] : memref<10000x128xf32, #tpu.memory_space<hbm>> -> memref<10000x128xf32, #tpu.memory_space<hbm>>
          tpu.enqueue_indirect_dma source(%dma_start3A_122 : memref<10000x128xf32, #tpu.memory_space<hbm>>) target(%arg9 : memref<64x128xf32, #tpu.memory_space<vmem>>) offsets(%dma_start3A_119 : memref<64xi32, #tpu.memory_space<vmem>>) semaphore(%arg14 : memref<!tpu.dma_semaphore, #tpu.memory_space<semaphore_mem>>)
        } else {
        }
        %add3A_89 = arith.constant 2 : i32
        %add3A_90 = arith.addi %mul3A_66, %add3A_89 : i32
        %dma_wait3A_91 = arith.constant 0 : i32
        %dma_wait3A_92 = tpu.memref_slice %arg6[%add3A_90, %dma_wait3A_91] : memref<40x64xi32, #tpu.memory_space<vmem>> -> memref<1x64xi32, #tpu.memory_space<vmem>>
        %dma_wait3A_93 = tpu.memref_squeeze %dma_wait3A_92 : memref<1x64xi32, #tpu.memory_space<vmem>> -> memref<64xi32, #tpu.memory_space<vmem>>
        %dma_wait3A_94 = arith.constant 0 : i32
        %dma_wait3A_95 = arith.constant 0 : i32
        %dma_wait3A_96 = tpu.memref_slice %arg2[%dma_wait3A_94, %dma_wait3A_95] : memref<10000x128xf32, #tpu.memory_space<hbm>> -> memref<10000x128xf32, #tpu.memory_space<hbm>>
        tpu.wait_indirect_dma semaphore(%arg15 : memref<!tpu.dma_semaphore, #tpu.memory_space<semaphore_mem>>) src(%dma_wait3A_96 : memref<10000x128xf32, #tpu.memory_space<hbm>>) dst(%arg10 : memref<64x128xf32, #tpu.memory_space<vmem>>)
        "tpu.region"() ({
          %run_scoped3A = tpu.sem_alloc : memref<!tpu.dma_semaphore, #tpu.memory_space<semaphore_mem>>
          %dma_start3A_115 = arith.constant 0 : i32
          %dma_start3A_116 = tpu.memref_slice %arg7[%add3A_90, %dma_start3A_115] : memref<40x64xi32, #tpu.memory_space<vmem>> -> memref<1x64xi32, #tpu.memory_space<vmem>>
          %dma_start3A_117 = tpu.memref_squeeze %dma_start3A_116 : memref<1x64xi32, #tpu.memory_space<vmem>> -> memref<64xi32, #tpu.memory_space<vmem>>
          %dma_start3A_118 = arith.constant 0 : i32
          %dma_start3A_119 = arith.constant 0 : i32
          %dma_start3A_120 = tpu.memref_slice %arg12[%dma_start3A_118, %dma_start3A_119] : memref<10240x128xf32, #tpu.memory_space<vmem_shared>> -> memref<10240x128xf32, #tpu.memory_space<vmem_shared>>
          tpu.enqueue_indirect_dma source(%arg10 : memref<64x128xf32, #tpu.memory_space<vmem>>) target(%dma_start3A_120 : memref<10240x128xf32, #tpu.memory_space<vmem_shared>>) offsets(%dma_start3A_117 : memref<64xi32, #tpu.memory_space<vmem>>) semaphore(%run_scoped3A : memref<!tpu.dma_semaphore, #tpu.memory_space<semaphore_mem>>) {add = true}
          %dma_wait3A_121 = arith.constant 0 : i32
          %dma_wait3A_122 = tpu.memref_slice %arg7[%add3A_90, %dma_wait3A_121] : memref<40x64xi32, #tpu.memory_space<vmem>> -> memref<1x64xi32, #tpu.memory_space<vmem>>
          %dma_wait3A_123 = tpu.memref_squeeze %dma_wait3A_122 : memref<1x64xi32, #tpu.memory_space<vmem>> -> memref<64xi32, #tpu.memory_space<vmem>>
          %dma_wait3A_124 = arith.constant 0 : i32
          %dma_wait3A_125 = arith.constant 0 : i32
          %dma_wait3A_126 = tpu.memref_slice %arg12[%dma_wait3A_124, %dma_wait3A_125] : memref<10240x128xf32, #tpu.memory_space<vmem_shared>> -> memref<10240x128xf32, #tpu.memory_space<vmem_shared>>
          tpu.wait_indirect_dma semaphore(%run_scoped3A : memref<!tpu.dma_semaphore, #tpu.memory_space<semaphore_mem>>) src(%arg10 : memref<64x128xf32, #tpu.memory_space<vmem>>) dst(%dma_wait3A_126 : memref<10240x128xf32, #tpu.memory_space<vmem_shared>>)
          tpu.yield
        }) : () -> ()
        %lt3A_97 = arith.constant 9 : i32
        %lt3A_98 = arith.cmpi slt, %scan3A_64, %lt3A_97 : i32
        %convert_element_type3A_99 = arith.extui %lt3A_98 : i1 to i32
        %cond3A_100 = arith.constant 0 : i32
        %cond3A_101 = arith.cmpi ne, %convert_element_type3A_99, %cond3A_100 : i32
        scf.if %cond3A_101 {
          %add3A_115 = arith.constant 4 : i32
          %add3A_116 = arith.addi %add3A_90, %add3A_115 : i32
          %dma_start3A_117 = arith.constant 0 : i32
          %dma_start3A_118 = tpu.memref_slice %arg6[%add3A_116, %dma_start3A_117] : memref<40x64xi32, #tpu.memory_space<vmem>> -> memref<1x64xi32, #tpu.memory_space<vmem>>
          %dma_start3A_119 = tpu.memref_squeeze %dma_start3A_118 : memref<1x64xi32, #tpu.memory_space<vmem>> -> memref<64xi32, #tpu.memory_space<vmem>>
          %dma_start3A_120 = arith.constant 0 : i32
          %dma_start3A_121 = arith.constant 0 : i32
          %dma_start3A_122 = tpu.memref_slice %arg2[%dma_start3A_120, %dma_start3A_121] : memref<10000x128xf32, #tpu.memory_space<hbm>> -> memref<10000x128xf32, #tpu.memory_space<hbm>>
          tpu.enqueue_indirect_dma source(%dma_start3A_122 : memref<10000x128xf32, #tpu.memory_space<hbm>>) target(%arg10 : memref<64x128xf32, #tpu.memory_space<vmem>>) offsets(%dma_start3A_119 : memref<64xi32, #tpu.memory_space<vmem>>) semaphore(%arg15 : memref<!tpu.dma_semaphore, #tpu.memory_space<semaphore_mem>>)
        } else {
        }
        %add3A_102 = arith.constant 3 : i32
        %add3A_103 = arith.addi %mul3A_66, %add3A_102 : i32
        %dma_wait3A_104 = arith.constant 0 : i32
        %dma_wait3A_105 = tpu.memref_slice %arg6[%add3A_103, %dma_wait3A_104] : memref<40x64xi32, #tpu.memory_space<vmem>> -> memref<1x64xi32, #tpu.memory_space<vmem>>
        %dma_wait3A_106 = tpu.memref_squeeze %dma_wait3A_105 : memref<1x64xi32, #tpu.memory_space<vmem>> -> memref<64xi32, #tpu.memory_space<vmem>>
        %dma_wait3A_107 = arith.constant 0 : i32
        %dma_wait3A_108 = arith.constant 0 : i32
        %dma_wait3A_109 = tpu.memref_slice %arg2[%dma_wait3A_107, %dma_wait3A_108] : memref<10000x128xf32, #tpu.memory_space<hbm>> -> memref<10000x128xf32, #tpu.memory_space<hbm>>
        tpu.wait_indirect_dma semaphore(%arg16 : memref<!tpu.dma_semaphore, #tpu.memory_space<semaphore_mem>>) src(%dma_wait3A_109 : memref<10000x128xf32, #tpu.memory_space<hbm>>) dst(%arg11 : memref<64x128xf32, #tpu.memory_space<vmem>>)
        "tpu.region"() ({
          %run_scoped3A = tpu.sem_alloc : memref<!tpu.dma_semaphore, #tpu.memory_space<semaphore_mem>>
          %dma_start3A_115 = arith.constant 0 : i32
          %dma_start3A_116 = tpu.memref_slice %arg7[%add3A_103, %dma_start3A_115] : memref<40x64xi32, #tpu.memory_space<vmem>> -> memref<1x64xi32, #tpu.memory_space<vmem>>
          %dma_start3A_117 = tpu.memref_squeeze %dma_start3A_116 : memref<1x64xi32, #tpu.memory_space<vmem>> -> memref<64xi32, #tpu.memory_space<vmem>>
          %dma_start3A_118 = arith.constant 0 : i32
          %dma_start3A_119 = arith.constant 0 : i32
          %dma_start3A_120 = tpu.memref_slice %arg12[%dma_start3A_118, %dma_start3A_119] : memref<10240x128xf32, #tpu.memory_space<vmem_shared>> -> memref<10240x128xf32, #tpu.memory_space<vmem_shared>>
          tpu.enqueue_indirect_dma source(%arg11 : memref<64x128xf32, #tpu.memory_space<vmem>>) target(%dma_start3A_120 : memref<10240x128xf32, #tpu.memory_space<vmem_shared>>) offsets(%dma_start3A_117 : memref<64xi32, #tpu.memory_space<vmem>>) semaphore(%run_scoped3A : memref<!tpu.dma_semaphore, #tpu.memory_space<semaphore_mem>>) {add = true}
          %dma_wait3A_121 = arith.constant 0 : i32
          %dma_wait3A_122 = tpu.memref_slice %arg7[%add3A_103, %dma_wait3A_121] : memref<40x64xi32, #tpu.memory_space<vmem>> -> memref<1x64xi32, #tpu.memory_space<vmem>>
          %dma_wait3A_123 = tpu.memref_squeeze %dma_wait3A_122 : memref<1x64xi32, #tpu.memory_space<vmem>> -> memref<64xi32, #tpu.memory_space<vmem>>
          %dma_wait3A_124 = arith.constant 0 : i32
          %dma_wait3A_125 = arith.constant 0 : i32
          %dma_wait3A_126 = tpu.memref_slice %arg12[%dma_wait3A_124, %dma_wait3A_125] : memref<10240x128xf32, #tpu.memory_space<vmem_shared>> -> memref<10240x128xf32, #tpu.memory_space<vmem_shared>>
          tpu.wait_indirect_dma semaphore(%run_scoped3A : memref<!tpu.dma_semaphore, #tpu.memory_space<semaphore_mem>>) src(%arg11 : memref<64x128xf32, #tpu.memory_space<vmem>>) dst(%dma_wait3A_126 : memref<10240x128xf32, #tpu.memory_space<vmem_shared>>)
          tpu.yield
        }) : () -> ()
        %lt3A_110 = arith.constant 9 : i32
        %lt3A_111 = arith.cmpi slt, %scan3A_64, %lt3A_110 : i32
        %convert_element_type3A_112 = arith.extui %lt3A_111 : i1 to i32
        %cond3A_113 = arith.constant 0 : i32
        %cond3A_114 = arith.cmpi ne, %convert_element_type3A_112, %cond3A_113 : i32
        scf.if %cond3A_114 {
          %add3A_115 = arith.constant 4 : i32
          %add3A_116 = arith.addi %add3A_103, %add3A_115 : i32
          %dma_start3A_117 = arith.constant 0 : i32
          %dma_start3A_118 = tpu.memref_slice %arg6[%add3A_116, %dma_start3A_117] : memref<40x64xi32, #tpu.memory_space<vmem>> -> memref<1x64xi32, #tpu.memory_space<vmem>>
          %dma_start3A_119 = tpu.memref_squeeze %dma_start3A_118 : memref<1x64xi32, #tpu.memory_space<vmem>> -> memref<64xi32, #tpu.memory_space<vmem>>
          %dma_start3A_120 = arith.constant 0 : i32
          %dma_start3A_121 = arith.constant 0 : i32
          %dma_start3A_122 = tpu.memref_slice %arg2[%dma_start3A_120, %dma_start3A_121] : memref<10000x128xf32, #tpu.memory_space<hbm>> -> memref<10000x128xf32, #tpu.memory_space<hbm>>
          tpu.enqueue_indirect_dma source(%dma_start3A_122 : memref<10000x128xf32, #tpu.memory_space<hbm>>) target(%arg11 : memref<64x128xf32, #tpu.memory_space<vmem>>) offsets(%dma_start3A_119 : memref<64xi32, #tpu.memory_space<vmem>>) semaphore(%arg16 : memref<!tpu.dma_semaphore, #tpu.memory_space<semaphore_mem>>)
        } else {
        }
      }
      %scan3A_63 = arith.constant 10 : i32
    }
    %scan3A_17 = arith.constant 4 : i32
    %barrier3A_18 = arith.constant 0 : index
    tpu.barrier barrier_id(%barrier3A_18)
    %mul3A_19 = arith.constant 640 : i32
    %mul3A_20 = arith.muli %arg1, %mul3A_19 : i32
    %mul3A_21 = arith.constant 10240 : i32
    %mul3A_22 = arith.muli %arg0, %mul3A_21 : i32
    %mul3A_23 = arith.constant 640 : i32
    %mul3A_24 = arith.muli %arg1, %mul3A_23 : i32
    %add3A_25 = arith.addi %mul3A_22, %mul3A_24 : i32
    "tpu.region"() ({
      %run_scoped3A = tpu.sem_alloc : memref<!tpu.dma_semaphore, #tpu.memory_space<semaphore_mem>>
      %dma_start3A = arith.constant 0 : i32
      %dma_start3A_26 = tpu.memref_slice %arg5[%add3A_25, %dma_start3A] : memref<20480x128xf32, #tpu.memory_space<hbm>> -> memref<640x128xf32, #tpu.memory_space<hbm>>
      %dma_start3A_27 = arith.constant 0 : i32
      %dma_start3A_28 = tpu.memref_slice %arg12[%mul3A_20, %dma_start3A_27] : memref<10240x128xf32, #tpu.memory_space<vmem_shared>> -> memref<640x128xf32, #tpu.memory_space<vmem_shared>>
      tpu.enqueue_dma source(%dma_start3A_28 : memref<640x128xf32, #tpu.memory_space<vmem_shared>>) target(%dma_start3A_26 : memref<640x128xf32, #tpu.memory_space<hbm>>) target_semaphore(%run_scoped3A : memref<!tpu.dma_semaphore, #tpu.memory_space<semaphore_mem>>)
      %dma_wait3A = arith.constant 0 : i32
      %dma_wait3A_29 = tpu.memref_slice %arg5[%add3A_25, %dma_wait3A] : memref<20480x128xf32, #tpu.memory_space<hbm>> -> memref<640x128xf32, #tpu.memory_space<hbm>>
      %dma_wait3A_30 = arith.constant 0 : i32
      %dma_wait3A_31 = tpu.memref_slice %arg12[%mul3A_20, %dma_wait3A_30] : memref<10240x128xf32, #tpu.memory_space<vmem_shared>> -> memref<640x128xf32, #tpu.memory_space<vmem_shared>>
      tpu.wait_dma2 semaphore(%run_scoped3A : memref<!tpu.dma_semaphore, #tpu.memory_space<semaphore_mem>>) src(%dma_wait3A_31 : memref<640x128xf32, #tpu.memory_space<vmem_shared>>) dst(%dma_wait3A_29 : memref<640x128xf32, #tpu.memory_space<hbm>>)
      tpu.yield
    }) : () -> ()
    return
  }
}

module attributes {stable_mosaic.version = 14 : i64} {
  func.func @body(%arg0: i32, %arg1: memref<1000x128xf32, #tpu.memory_space<vmem>>, %arg2: memref<128x128xf32, #tpu.memory_space<vmem>>, %arg3: memref<1000x1xf32, #tpu.memory_space<vmem>>, %arg4: memref<1000x1xf32, #tpu.memory_space<vmem>>, %arg5: memref<1000x128xf32, #tpu.memory_space<vmem>>, %arg6: memref<1000x1xf32, #tpu.memory_space<vmem>>) attributes {dimension_semantics = [#tpu.dimension_semantics<arbitrary>], iteration_bounds = array<i64: 10>, scalar_prefetch = 0 : i64, scratch_operands = 0 : i64, tpu.core_type = #tpu.core_type<tc>, window_params = [{transform_indices = @transform_0, window_bounds = array<i64: 1000, 128>}, {pipeline_mode = #tpu.pipeline_mode<synchronous>, transform_indices = @transform_1, window_bounds = array<i64: 128, 128>}, {transform_indices = @transform_2, window_bounds = array<i64: 1000, 1>}, {transform_indices = @transform_3, window_bounds = array<i64: 1000, 1>}, {transform_indices = @transform_4, window_bounds = array<i64: 1000, 128>}, {transform_indices = @transform_5, window_bounds = array<i64: 1000, 1>}]} {
    %get3A = arith.constant 0 : index
    %get3A_0 = arith.constant 0 : index
    %get3A_1 = vector.load %arg3[%get3A, %get3A_0] : memref<1000x1xf32, #tpu.memory_space<vmem>>, vector<1000x1xf32>
    %get3A_2 = arith.constant 0 : index
    %get3A_3 = arith.constant 0 : index
    %get3A_4 = vector.load %arg4[%get3A_2, %get3A_3] : memref<1000x1xf32, #tpu.memory_space<vmem>>, vector<1000x1xf32>
    %add3A = arith.addf %get3A_1, %get3A_4 : vector<1000x1xf32>
    %add3A_5 = arith.constant 1.000000e+00 : f32
    %add3A_6 = vector.broadcast %add3A_5 : f32 to vector<1000x1xf32>
    %add3A_7 = arith.addf %add3A, %add3A_6 : vector<1000x1xf32>
    %rsqrt3A = math.rsqrt %add3A_7 : vector<1000x1xf32>
    %get3A_8 = arith.constant 0 : index
    %get3A_9 = arith.constant 0 : index
    %get3A_10 = vector.load %arg1[%get3A_8, %get3A_9] : memref<1000x128xf32, #tpu.memory_space<vmem>>, vector<1000x128xf32>
    %get3A_11 = arith.constant 0 : index
    %get3A_12 = arith.constant 0 : index
    %get3A_13 = vector.load %arg2[%get3A_11, %get3A_12] : memref<128x128xf32, #tpu.memory_space<vmem>>, vector<128x128xf32>
    %dot_general3A = arith.constant dense<0.000000e+00> : vector<1000x128xf32>
    %dot_general3A_14 = tpu.matmul %get3A_10, %get3A_13, %dot_general3A {dimension_numbers = #tpu.dot_dimension_numbers<[1], [1], [0], [0], [0, 0, 1, 0], [], []>, transpose_lhs_hint = false} : vector<1000x128xf32>, vector<128x128xf32>, vector<1000x128xf32> -> vector<1000x128xf32>
    %mul3A = vector.broadcast %rsqrt3A : vector<1000x1xf32> to vector<1000x128xf32>
    %mul3A_15 = arith.mulf %dot_general3A_14, %mul3A : vector<1000x128xf32>
    %swap3A = arith.constant 0 : index
    %swap3A_16 = arith.constant 0 : index
    %swap3A_17 = vector.load %arg5[%swap3A, %swap3A_16] : memref<1000x128xf32, #tpu.memory_space<vmem>>, vector<1000x128xf32>
    tpu.vector_store %arg5[%swap3A, %swap3A_16], %mul3A_15 {strides = array<i32>} : memref<1000x128xf32, #tpu.memory_space<vmem>>, vector<1000x128xf32>,
    %swap3A_18 = arith.constant 0 : index
    %swap3A_19 = arith.constant 0 : index
    %swap3A_20 = vector.load %arg6[%swap3A_18, %swap3A_19] : memref<1000x1xf32, #tpu.memory_space<vmem>>, vector<1000x1xf32>
    tpu.vector_store %arg6[%swap3A_18, %swap3A_19], %rsqrt3A {strides = array<i32>} : memref<1000x1xf32, #tpu.memory_space<vmem>>, vector<1000x1xf32>,
    return
  }
  func.func @transform_0(%arg0: i32) -> (i32, i32) {
    %c0_i32 = arith.constant 0 : i32
    %c0_i32_0 = arith.constant 0 : i32
    return %arg0, %c0_i32 : i32, i32
  }
  func.func @transform_1(%arg0: i32) -> (i32, i32) {
    %c0_i32 = arith.constant 0 : i32
    %c0_i32_0 = arith.constant 0 : i32
    %c0_i32_1 = arith.constant 0 : i32
    return %c0_i32, %c0_i32_0 : i32, i32
  }
  func.func @transform_2(%arg0: i32) -> (i32, i32) {
    %c0_i32 = arith.constant 0 : i32
    %c0_i32_0 = arith.constant 0 : i32
    return %arg0, %c0_i32 : i32, i32
  }
  func.func @transform_3(%arg0: i32) -> (i32, i32) {
    %c0_i32 = arith.constant 0 : i32
    %c0_i32_0 = arith.constant 0 : i32
    return %arg0, %c0_i32 : i32, i32
  }
  func.func @transform_4(%arg0: i32) -> (i32, i32) {
    %c0_i32 = arith.constant 0 : i32
    %c0_i32_0 = arith.constant 0 : i32
    return %arg0, %c0_i32 : i32, i32
  }
  func.func @transform_5(%arg0: i32) -> (i32, i32) {
    %c0_i32 = arith.constant 0 : i32
    %c0_i32_0 = arith.constant 0 : i32
    return %arg0, %c0_i32 : i32, i32
  }
}

module attributes {stable_mosaic.version = 14 : i64} {
  func.func @body(%arg0: i32, %arg1: memref<1000x128xf32, #tpu.memory_space<vmem>>, %arg2: memref<1000x128xf32, #tpu.memory_space<vmem>>, %arg3: memref<1000x128xf32, #tpu.memory_space<vmem>>, %arg4: memref<1000x1xf32, #tpu.memory_space<vmem>>, %arg5: memref<1x128xf32, #tpu.memory_space<vmem>>, %arg6: memref<1x1xf32, #tpu.memory_space<vmem>>, %arg7: memref<1000x128xf32, #tpu.memory_space<vmem>>) attributes {dimension_semantics = [#tpu.dimension_semantics<arbitrary>], iteration_bounds = array<i64: 10>, scalar_prefetch = 0 : i64, scratch_operands = 0 : i64, tpu.core_type = #tpu.core_type<tc>, window_params = [{transform_indices = @transform_0, window_bounds = array<i64: 1000, 128>}, {transform_indices = @transform_1, window_bounds = array<i64: 1000, 128>}, {transform_indices = @transform_2, window_bounds = array<i64: 1000, 128>}, {transform_indices = @transform_3, window_bounds = array<i64: 1000, 1>}, {pipeline_mode = #tpu.pipeline_mode<synchronous>, transform_indices = @transform_4, window_bounds = array<i64: 1, 128>}, {pipeline_mode = #tpu.pipeline_mode<synchronous>, transform_indices = @transform_5, window_bounds = array<i64: 1, 1>}, {transform_indices = @transform_6, window_bounds = array<i64: 1000, 128>}]} {
    %get3A = arith.constant 0 : index
    %get3A_0 = arith.constant 0 : index
    %get3A_1 = vector.load %arg4[%get3A, %get3A_0] : memref<1000x1xf32, #tpu.memory_space<vmem>>, vector<1000x1xf32>
    %get3A_2 = arith.constant 0 : index
    %get3A_3 = arith.constant 0 : index
    %get3A_4 = vector.load %arg1[%get3A_2, %get3A_3] : memref<1000x128xf32, #tpu.memory_space<vmem>>, vector<1000x128xf32>
    %get3A_5 = arith.constant 0 : index
    %get3A_6 = arith.constant 0 : index
    %get3A_7 = vector.load %arg2[%get3A_5, %get3A_6] : memref<1000x128xf32, #tpu.memory_space<vmem>>, vector<1000x128xf32>
    %add3A = arith.addf %get3A_4, %get3A_7 : vector<1000x128xf32>
    %get3A_8 = arith.constant 0 : index
    %get3A_9 = arith.constant 0 : index
    %get3A_10 = vector.load %arg3[%get3A_8, %get3A_9] : memref<1000x128xf32, #tpu.memory_space<vmem>>, vector<1000x128xf32>
    %add3A_11 = arith.addf %add3A, %get3A_10 : vector<1000x128xf32>
    %mul3A = vector.broadcast %get3A_1 : vector<1000x1xf32> to vector<1000x128xf32>
    %mul3A_12 = arith.mulf %mul3A, %add3A_11 : vector<1000x128xf32>
    %get3A_13 = arith.constant 0 : index
    %get3A_14 = arith.constant 0 : index
    %get3A_15 = vector.load %arg5[%get3A_13, %get3A_14] : memref<1x128xf32, #tpu.memory_space<vmem>>, vector<1x128xf32>
    %add3A_16 = vector.broadcast %get3A_15 : vector<1x128xf32> to vector<1000x128xf32>
    %add3A_17 = arith.addf %mul3A_12, %add3A_16 : vector<1000x128xf32>
    %ge3A = arith.constant 0.000000e+00 : f32
    %ge3A_18 = vector.broadcast %ge3A : f32 to vector<1000x128xf32>
    %ge3A_19 = arith.cmpf oge, %add3A_17, %ge3A_18 : vector<1000x128xf32>
    %get3A_20 = arith.constant 0 : index
    %get3A_21 = arith.constant 0 : index
    %get3A_22 = vector.load %arg6[%get3A_20, %get3A_21] : memref<1x1xf32, #tpu.memory_space<vmem>>, vector<1x1xf32>
    %mul3A_23 = vector.broadcast %get3A_22 : vector<1x1xf32> to vector<1000x128xf32>
    %mul3A_24 = arith.mulf %mul3A_23, %add3A_17 : vector<1000x128xf32>
    %select_n3A = arith.select %ge3A_19, %add3A_17, %mul3A_24 : vector<1000x128xi1>, vector<1000x128xf32>
    %swap3A = arith.constant 0 : index
    %swap3A_25 = arith.constant 0 : index
    %swap3A_26 = vector.load %arg7[%swap3A, %swap3A_25] : memref<1000x128xf32, #tpu.memory_space<vmem>>, vector<1000x128xf32>
    tpu.vector_store %arg7[%swap3A, %swap3A_25], %select_n3A {strides = array<i32>} : memref<1000x128xf32, #tpu.memory_space<vmem>>, vector<1000x128xf32>,
    return
  }
  func.func @transform_0(%arg0: i32) -> (i32, i32) {
    %c0_i32 = arith.constant 0 : i32
    %c0_i32_0 = arith.constant 0 : i32
    return %arg0, %c0_i32 : i32, i32
  }
  func.func @transform_1(%arg0: i32) -> (i32, i32) {
    %c0_i32 = arith.constant 0 : i32
    %c0_i32_0 = arith.constant 0 : i32
    return %arg0, %c0_i32 : i32, i32
  }
  func.func @transform_2(%arg0: i32) -> (i32, i32) {
    %c0_i32 = arith.constant 0 : i32
    %c0_i32_0 = arith.constant 0 : i32
    return %arg0, %c0_i32 : i32, i32
  }
  func.func @transform_3(%arg0: i32) -> (i32, i32) {
    %c0_i32 = arith.constant 0 : i32
    %c0_i32_0 = arith.constant 0 : i32
    return %arg0, %c0_i32 : i32, i32
  }
  func.func @transform_4(%arg0: i32) -> (i32, i32) {
    %c0_i32 = arith.constant 0 : i32
    %c0_i32_0 = arith.constant 0 : i32
    %c0_i32_1 = arith.constant 0 : i32
    return %c0_i32, %c0_i32_0 : i32, i32
  }
  func.func @transform_5(%arg0: i32) -> (i32, i32) {
    %c0_i32 = arith.constant 0 : i32
    %c0_i32_0 = arith.constant 0 : i32
    %c0_i32_1 = arith.constant 0 : i32
    return %c0_i32, %c0_i32_0 : i32, i32
  }
  func.func @transform_6(%arg0: i32) -> (i32, i32) {
    %c0_i32 = arith.constant 0 : i32
    %c0_i32_0 = arith.constant 0 : i32
    return %arg0, %c0_i32 : i32, i32
  }
}

</mosaic_0001>

<sc_bundles>
// kernel: kernel.6.cloned.1.call-start
scs
__scs_entry_jumppad:
0x0: {  	(pc) =	sbr.rel $0x88, $3  }
0x1: {  	(tag) =	ssettag $0x0;
	lr =	simm.s32 $0x1  }
0x2: {  	[smem:$0x3F9C] =	sst lr;
	_ =	strace $0xD0000000  }
0x3: {  	_ = 	snop  }
0x4: {  	_ = 	snop  }
0x5: {  	_ = 	snop  }
0x6: {  	_ = 	snop  }
0x7: {  	_ = 	snop  }
__scs_overlays_trampoline_lowered:
0x8: {  	[smem:$0x3FAB] =	sst s0  }
0x9: {  	[smem:$0x3FAC] =	sst s1  }
0xa: {  	[smem:$0x3FAD] =	sst s2  }
0xb: {  	[smem:$0x3FAE] =	sst s3  }
0xc: {  	[smem:$0x3FAF] =	sst s4  }
0xd: {  	[smem:$0x3FB0] =	sst s5  }
0xe: {  	[smem:$0x3FB1] =	sst s6  }
0xf: {  	[smem:$0x3FB2] =	sst s7  }
0x10: {  	[smem:$0x3FB3] =	sst s8  }
0x11: {  	[smem:$0x3FB4] =	sst s9;
	s0 =	simm.s32 @!p0 $0x0  }
0x12: {  	s1 =	sld [smem:$0x3F9A];
	s0 =	simm.s32 @p0 $0x1  }
0x13: {  	[smem:$0x3FB5] =	sst s0;
	s0 =	simm.s32 @!p1 $0x0  }
0x14: {  	s2 =	sld [smem:$0x3F99];
	s0 =	simm.s32 @p1 $0x1  }
0x15: {  	[smem:$0x3FB6] =	sst s0;
	s0 =	simm.s32 @!p2 $0x0  }
0x16: {  	s3 =	sld [smem:$0x3FDB];
	s0 =	simm.s32 @p2 $0x1  }
0x17: {  	s4 =	simm.s32 $0x1BF5;
	[smem:$0x3FB8] =	sst s0  }
0x18: {  	s0 =	sld [smem:$0x3F9B];
	_ =	swait.ge [sflag:s4], $0x0  }
0x19: {  	s7 =	sld [smem:$0x3F9C]  }
0x1a: {  	s8 =	sadd.s32 $0xFFFFE003, lr  }
0x1b: {  	s9 =	sadd.s32 $0xFFFFFEF7, lr;
	s5 =	simm.s32 $0xFFFFFFFF;
	p2 =	slt.u32 s8, $0xFFFFF086  }
0x1c: {  	p1 =	slt.u32 s9, $0xF7A;
	s5 =	simm.s32 @!p2 $0x0  }
0x1d: {  	s5 =	simm.s32 @p1 $0x1;
	p0 =	seq.s32 s7, s2  }
0x1e: {  	s7 =	smul.u32 @!p0 $0xF7A, s2;
	p2 =	seq.s32 @!p0 s5, $0x0  }
0x1f: {  	s9 =	smul.u32 $0xF7A, s1;
	s8 =	simm.s32 @!p0 $0x1BF5;
	p2 =	por !p2, p0  }
0x20: {  	[sflag:s8] =	ssyncset.s32 @!p0 $0xFFFFF086;
	s6 =	sadd.s32 @!p0 s3, s7;
	s7 =	simm.s32 @!p0 $0x108  }
0x21: {  	s3 =	sadd.s32 s3, s9;
	s6 =	sadd.s32 @!p0 $0x88, s6;
	s7 =	simm.s32 @p2 $0x1082  }
0x22: {  	[simem:s7], [sflag:s8] =	dma.local @!p0 [hbm:s6], $0xF7A  }
0x23: {  	s9 =	sor.u32 $0xD0000000, s2;
	s6 =	simm.s32 $0x108;
	_ =	swait.ge @!p0 [sflag:s8], $0x0  }
0x24: {  	s3 =	sadd.s32 $0x88, s3;
	s6 =	simm.s32 @!p1 $0x1082;
	[sflag:s4] =	ssyncset.s32 $0xFFFFF086  }
0x25: {  	[simem:s6], [sflag:s4] =	dma.local [hbm:s3], $0xF7A  }
0x26: {  	[smem:$0x3F9C] =	sst s1;
	(tag) =	ssettag s2;
	_ =	strace s9  }
0x27: {  	s1 =	sld [smem:$0x3FAC]  }
0x28: {  	s2 =	sld [smem:$0x3FAD]  }
0x29: {  	s4 =	sld [smem:$0x3FAF]  }
0x2a: {  	p0 =	seq.s32 s5, $0x0;
	s5 =	sld [smem:$0x3FB0]  }
0x2b: {  	s6 =	sld [smem:$0x3FB1]  }
0x2c: {  	s7 =	sld [smem:$0x3FB2]  }
0x2d: {  	s3 =	simm.s32 $0x108;
	s8 =	sld [smem:$0x3FB3]  }
0x2e: {  	s3 =	simm.s32 @!p0 $0x1082;
	s9 =	sld [smem:$0x3FB4]  }
0x2f: {  	lr =	sadd.s32 s0, s3;
	s0 =	sld [smem:$0x3FAB]  }
0x30: {  	s3 =	sld [smem:$0x3FAE]  }
0x31: {  	[smem:$0x3FB7] =	sst s10  }
0x32: {  	s10 =	sld [smem:$0x3FB5];
	_ =	sdelay $0x3  }
0x33: {  	p0 =	seq.s32 s10, $0x1;
	s10 =	sld [smem:$0x3FB7];
	_ =	sdelay $0x3  }
0x34: {  	[smem:$0x3FB7] =	sst s10  }
0x35: {  	s10 =	sld [smem:$0x3FB6];
	_ =	sdelay $0x3  }
0x36: {  	p1 =	seq.s32 s10, $0x1;
	s10 =	sld [smem:$0x3FB7];
	_ =	sdelay $0x3  }
0x37: {  	[smem:$0x3FB7] =	sst s10  }
0x38: {  	s10 =	sld [smem:$0x3FB8]  }
0x39: {  	_ = 	snop;
	(pc) =	sbr.ind lr, $3  }
0x3a: {  	_ = 	snop  }
0x3b: {  	_ = 	snop  }
0x3c: {  	p2 =	seq.s32 s10, $0x1;
	s10 =	sld [smem:$0x3FB7]  }
0x3d: {  	_ =	shalt  }
0x3e: {  	_ =	shalt  }
0x3f: {  	_ =	shalt  }
0x40: {  	_ =	shalt  }
0x41: {  	_ =	shalt  }
0x42: {  	_ =	shalt  }
0x43: {  	_ =	shalt  }
0x44: {  	_ =	shalt  }
0x45: {  	_ =	shalt  }
0x46: {  	_ =	shalt  }
0x47: {  	_ =	shalt  }
0x48: {  	_ =	shalt  }
0x49: {  	_ =	shalt  }
0x4a: {  	_ =	shalt  }
0x4b: {  	_ =	shalt  }
0x4c: {  	_ =	shalt  }
0x4d: {  	_ =	shalt  }
0x4e: {  	_ =	shalt  }
0x4f: {  	_ =	shalt  }
0x50: {  	_ =	shalt  }
0x51: {  	_ =	shalt  }
0x52: {  	_ =	shalt  }
0x53: {  	_ =	shalt  }
0x54: {  	_ =	shalt  }
0x55: {  	_ =	shalt  }
0x56: {  	_ =	shalt  }
0x57: {  	_ =	shalt  }
0x58: {  	_ =	shalt  }
0x59: {  	_ =	shalt  }
0x5a: {  	_ =	shalt  }
0x5b: {  	_ =	shalt  }
0x5c: {  	_ =	shalt  }
0x5d: {  	_ =	shalt  }
0x5e: {  	_ =	shalt  }
0x5f: {  	_ =	shalt  }
0x60: {  	_ =	shalt  }
0x61: {  	_ =	shalt  }
0x62: {  	_ =	shalt  }
0x63: {  	_ =	shalt  }
0x64: {  	_ =	shalt  }
0x65: {  	_ =	shalt  }
0x66: {  	_ =	shalt  }
0x67: {  	_ =	shalt  }
0x68: {  	_ =	shalt  }
0x69: {  	_ =	shalt  }
0x6a: {  	_ =	shalt  }
0x6b: {  	_ =	shalt  }
0x6c: {  	_ =	shalt  }
0x6d: {  	_ =	shalt  }
0x6e: {  	_ =	shalt  }
0x6f: {  	_ =	shalt  }
0x70: {  	_ =	shalt  }
0x71: {  	_ =	shalt  }
0x72: {  	_ =	shalt  }
0x73: {  	_ =	shalt  }
0x74: {  	_ =	shalt  }
0x75: {  	_ =	shalt  }
0x76: {  	_ =	shalt  }
0x77: {  	_ =	shalt  }
0x78: {  	_ =	shalt  }
0x79: {  	_ =	shalt  }
0x7a: {  	_ =	shalt  }
0x7b: {  	_ =	shalt  }
0x7c: {  	_ =	shalt  }
0x7d: {  	_ =	shalt  }
0x7e: {  	_ =	shalt  }
0x7f: {  	_ =	shalt  }
0x80: {  	_ =	shalt  }
0x81: {  	_ =	shalt  }
0x82: {  	_ =	shalt  }
0x83: {  	_ =	shalt  }
0x84: {  	_ =	shalt  }
0x85: {  	_ =	shalt  }
0x86: {  	_ =	shalt  }
0x87: {  	_ =	shalt  }
.Lfunc_end0:
.L_simem_size_0:
called_computation_lowered:
.L_overlay_start_0:
0x88: {  	s2 =	sld [smem:$0x3FD9]  }
0x89: {  	s3 =	sld [smem:$0x3FFE];
	_ =	sdelay $0x1  }
0x8a: {  	s1 =	srdreg.scid  }
0x8b: {  	s0 =	sand.u32 $0x1, s1  }
0x8c: {  	s17 =	sshll.u32 s0, $0xA;
	s2 =	sadd.s32 s3, s2  }
0x8d: {  	s2 =	sadd.s32 s2, s17  }
0x8e: {  	[smem:$0x3FC3] =	sst s2  }
0x8f: {  	_ = 	snop  }
0x90: {  	s2 =	sld [smem:$0x3FD0];
	(tm) =	ssettm $0x1  }
0x91: {  	s18 =	sld [smem:$0x3FFB];
	_ =	sdelay $0x3  }
0x92: {  	_ =	strace s18  }
0x93: {  	s3 =	sld [smem:$0x3FFC];
	_ =	sdelay $0x3  }
0x94: {  	_ =	strace s3  }
0x95: {  	s3 =	sld [smem:$0x3FFD];
	_ =	sdelay $0x3  }
0x96: {  	_ =	strace s3  }
0x97: {  	_ =	strace $0x8FFFFFFF  }
0x98: {  	s19 =	sld [smem:$0x3FDB];
	_ =	sdelay $0x1  }
0x99: {  	s4 =	simm.s32 $_scs_section_size  }
0x9a: {  	s5 =	simm.s32 $_size__tile_overlayer_lowered;
	s6 =	simm.s32 $_tile_overlayer_lowered  }
0x9b: {  	s22 =	simm.s32 $0x1BFF;
	s21 =	sshll.u32 s6, $0x1;
	s3 =	sadd.s32 s4, s19  }
0x9c: {  	s7 =	simm.s32 $0x0;
	s20 =	sshll.u32 s5, $0x1;
	s5 =	sadd.s32 s21, s3  }
0x9d: {  	[timem:s7], [sflag:s22] =	dma.local [hbm:s5], s20  }
0x9e: {  	_ =	swait.ge [sflag:s22], s20  }
0x9f: {  	s4 =	ssub.s32 $0x0, s20;
	[sflag:s22] =	ssyncset.done $0x0  }
0xa0: {  	[sflag:s22] =	ssyncadd.s32 s4;
	_ =	sdelay $0x1  }
0xa1: {  	s23 =	simm.s32 $0x1B8B  }
0xa2: {  	_ =	swait.ge [sflag:s23], $0x1  }
0xa3: {  	[sflag:s23] =	ssyncset.done $0x0  }
0xa4: {  	s25 =	simm.s32 $0x1B8E;
	s24 =	sld [smem:$0x3FFE];
	[sflag:s23] =	ssyncadd.s32 $0xFFFFFFFF  }
0xa5: {  	s26 =	simm.s32 $execute0_lowered;
	[smem:$0x3FD2] =	sst s25  }
0xa6: {  	s5 =	sshll.u32 s26, $0x1;
	_ =	strace $0x80000046;
	[dreg:$0x1] =	wrdreg $0xFFFFFFFF  }
0xa7: {  	s28 =	simm.s32 $_size_execute0_lowered;
	s3 =	sadd.s32 s3, s5;
	[dreg:$0x0] =	wrdreg $0x0  }
0xa8: {  	s5 =	sshll.u32 s28, $0x1;
	[dreg:$0x2] =	wrdreg s3  }
0xa9: {  	[dreg:$0x3] =	wrdreg s5  }
0xaa: {  	[dreg:$0x4] =	wrdreg $0xC0  }
0xab: {  	_ =	task [dreg:s7], $0x5FFFF  }
0xac: {  	[dreg:$0x1] =	wrdreg $0xFFFFFFFF  }
0xad: {  	[dreg:$0x0] =	wrdreg $0x60  }
0xae: {  	[dreg:$0x2] =	wrdreg s2  }
0xaf: {  	[dreg:$0x3] =	wrdreg s24  }
0xb0: {  	[dreg:$0x4] =	wrdreg $0x2B000  }
0xb1: {  	[dreg:$0x5] =	wrdreg $0x9  }
0xb2: {  	_ =	task.clear_ibuf [dreg:s7], $0x6FFFF;
	_ =	strace $0x90000046  }
0xb3: {  	s29 =	simm.s32 $0x9;
	_ =	strace $0x80000048  }
0xb4: {  	_ =	swait.ge [sflag:s29], $0x1  }
0xb5: {  	[sflag:s29] =	ssyncadd.s32 $0xFFFFFFFF  }
0xb6: {  	_ =	strace $0x90000048  }
0xb7: {  	_ =	sfence  }
0xb8: {  	s30 =	sld [smem:$0x0];
	_ =	sdelay $0x2  }
0xb9: {  	s31 =	sshll.u32 s1, $0xD;
	s1 =	sshrl.u32 s1, $0x2  }
0xba: {  	s3 =	sand.u32 $0x4000, s31;
	s1 =	sadd.s32 s1, s30  }
0xbb: {  	s0 =	sor.u32 s3, s0;
	s1 =	sshll.u32 s1, $0x11  }
0xbc: {  	s0 =	sor.u32 s1, s0  }
0xbd: {  	s0 =	sadd.s32 $0x8F2B, s0  }
0xbe: {  	[sflag:s0] =	ssyncadd.remote.s32 $0x1  }
0xbf: {  	_ =	sfence.sel $0xFFFF  }
0xc0: {  	[dreg:$0x0] =	wrdreg $0xFFFFFFFF;
	(pc) =	sbr.abs _section_cstart, $3  }
0xc1: {  	[dreg:$0x1] =	wrdreg $0xFFFFFFFF  }
0xc2: {  	_ =	task.clear_ibuf [dreg:s7], $0x2FFFF;
	_ =	strace $0x9FFFFFFF  }
0xc3: {  	(tm) =	ssettm $0x7FFFFFFF  }
tec
execute0_lowered:
.L_overlay_start_1:
0x0: {  	(tag) =	ssettag $0x1  }
0x1: {  	s5 =	rddreg [dreg:$0x0]  }
0x2: {  	s4 =	rddreg [dreg:$0x1];
	s1 =	srdreg.scid  }
0x3: {  	s0 =	stileid.u32;
	s2 =	rddreg [dreg:$0x2];
	s3 =	simm.s32 $0x0  }
0x4: {  	s11 =	simm.s32 $0x2800;
	s6 =	sand.u32 $0x1, s1;
	s1 =	rddreg [dreg:$0x3]  }
0x5: {  	s14 =	simm.s32 $0x0;
	s7 =	smul.u32 $0x280, s0;
	[smem:$0x7FF] =	sst s3  }
0x6: {  	s9 =	sshll.u32 s0, $0x1;
	s12 =	sshll.u32 s0, $0x6;
	s8 =	smul.u32 $0x2800, s6  }
0x7: {  	s10 =	ssub.s32 $0x2, s6;
	s6 =	sor.u32 s6, s9;
	_ =	strace $0x80000047  }
0x8: {  	s31 =	sshrl.u32 s10, $0x1;
	s6 =	smul.u32 $0x500, s6;
	s8 =	sadd.s32 s7, s8  }
0x9: {  	s12 =	sor.u32 $0x1C01, s12;
	s9 =	ssub.s32 s10, s31;
	s8 =	sshrl.u32 s8, $0x3  }
0xa: {  	s10 =	simm.s32 $0x80;
	s5 =	sadd.s32 s5, s6;
	s8 =	sadd.s32 s8, s4  }
0xb: {  	s4 =	sadd.s32 s7, s2;
	s7 =	smax.u32 s9, $0x1;
	s9 =	simm.s32 $0x1  }
0xc: {  	v0 =	vimm.f32 $1.000000000e+00;
	v1 =	vimm.f32 $0.0e+00;
	s6 =	sadd.s32 $0x1E00, s8;
	s8 =	simm.s32 $0x2880;
	s13 =	sshrl.u32 s4, $0x3  }
.LBB2_1:
0xd: {  	[tilespmem:$0x2800] =	vst v0  }
0xe: {  	[tilespmem:$0x2810] =	vst v0  }
0xf: {  	[tilespmem:$0x2820] =	vst v0  }
0x10: {  	[tilespmem:$0x2830] =	vst v0  }
0x11: {  	[tilespmem:$0x2840] =	vst v0  }
0x12: {  	[tilespmem:$0x2850] =	vst v0  }
0x13: {  	[tilespmem:$0x2860] =	vst v0  }
0x14: {  	[tilespmem:$0x2870] =	vst v0  }
0x15: {  	[tilespmem:$0x2880] =	vst v1  }
0x16: {  	[tilespmem:$0x2890] =	vst v1  }
0x17: {  	[tilespmem:$0x28A0] =	vst v1  }
0x18: {  	[tilespmem:$0x28B0] =	vst v1  }
0x19: {  	[tilespmem:$0x28C0] =	vst v1  }
0x1a: {  	[tilespmem:$0x28D0] =	vst v1  }
0x1b: {  	[tilespmem:$0x28E0] =	vst v1  }
0x1c: {  	[tilespmem:$0x28F0] =	vst v1  }
0x1d: {  	[tilespmem:$0x2900] =	vst v1  }
0x1e: {  	[tilespmem:$0x2910] =	vst v1  }
0x1f: {  	[tilespmem:$0x2920] =	vst v1  }
0x20: {  	[tilespmem:$0x2930] =	vst v1  }
0x21: {  	[tilespmem:$0x2940] =	vst v1  }
0x22: {  	[tilespmem:$0x2950] =	vst v1  }
0x23: {  	[tilespmem:$0x2960] =	vst v1  }
0x24: {  	[tilespmem:$0x2970] =	vst v1  }
0x25: {  	[tilespmem:$0x2980] =	vst v1  }
0x26: {  	[tilespmem:$0x2990] =	vst v1  }
0x27: {  	[tilespmem:$0x29A0] =	vst v1  }
0x28: {  	[tilespmem:$0x29B0] =	vst v1  }
0x29: {  	[tilespmem:$0x29C0] =	vst v1  }
0x2a: {  	[tilespmem:$0x29D0] =	vst v1  }
0x2b: {  	[tilespmem:$0x29E0] =	vst v1  }
0x2c: {  	[tilespmem:$0x29F0] =	vst v1  }
0x2d: {  	[tilespmem:$0x2A00] =	vst v1  }
0x2e: {  	[tilespmem:$0x2A10] =	vst v1  }
0x2f: {  	[tilespmem:$0x2A20] =	vst v1  }
0x30: {  	[tilespmem:$0x2A30] =	vst v1  }
0x31: {  	[tilespmem:$0x2A40] =	vst v1  }
0x32: {  	[tilespmem:$0x2A50] =	vst v1  }
0x33: {  	[tilespmem:$0x2A60] =	vst v1  }
0x34: {  	[tilespmem:$0x2A70] =	vst v1  }
0x35: {  	[tilespmem:$0x2A80] =	vst v1  }
0x36: {  	[tilespmem:$0x2A90] =	vst v1  }
0x37: {  	[tilespmem:$0x2AA0] =	vst v1  }
0x38: {  	[tilespmem:$0x2AB0] =	vst v1  }
0x39: {  	[tilespmem:$0x2AC0] =	vst v1  }
0x3a: {  	[tilespmem:$0x2AD0] =	vst v1  }
0x3b: {  	[tilespmem:$0x2AE0] =	vst v1  }
0x3c: {  	[tilespmem:$0x2AF0] =	vst v1  }
0x3d: {  	[spmem:s4] =	stream.linear.scatter [tilespmem:s8], [sflag:$0x1], $0x280, $0x38;
	[tilespmem:$0x2D80] =	vst v63  }
0x3e: {  	_ =	swait.ge [sflag:s9], $0x280  }
0x3f: {  	[sflag:s9] =	ssyncset.done $0x0  }
0x40: {  	[sflag:s9] =	ssyncadd.s32 $0xFFFFFD80  }
0x41: {  	[tilespmem:s3], [sflag:$0x1] =	stream.linear.gather [hbm4b:s5+s3], $0x2800, $0x38;
	[tilespmem:$0x2D80] =	vst v63  }
0x42: {  	_ =	swait.ge [sflag:s9], $0x2800  }
0x43: {  	[sflag:s9] =	ssyncset.done $0x0  }
0x44: {  	[sflag:s9] =	ssyncadd.s32 $0xFFFFD800  }
0x45: {  	s15 =	simm.s32 $0x0;
	[bflag:$0x0] =	sbarrier.arrive $0xFFFF  }
0x46: {  	[spmem:s2] =	stream.indirect.scatter.add.f32 [tilespmem:s11], [sflag:$0x1], $0x1, s15, s10, $0xb8;
	[tilespmem:$0x2D80] =	vst v63  }
0x47: {  	_ =	swait.ge [sflag:s9], $0x80  }
0x48: {  	s15 =	simm.s32 $0x200;
	[sflag:s9] =	ssyncset.done $0x0  }
.LBB2_2:
0x49: {  	s16 =	sshra.s32 s15, $0x2;
	[sflag:s9] =	ssyncadd.s32 $0xFFFFFF80;
	p0 =	sne.s32 s15, $0x9E00  }
0x4a: {  	[spmem:s2] =	stream.indirect.scatter.add.f32 [tilespmem:s11], [sflag:$0x1], $0x1, s16, s10, $0xb8;
	[tilespmem:$0x2D80] =	vst v63  }
.Ltmp0:
0x4b: {  	_ = 	snop;
	(pc) =	sbr.rel @p0 .LBB2_2-.Ltmp0, $4  }
0x4c: {  	_ = 	snop  }
0x4d: {  	s15 =	sadd.s32 $0x200, s15  }
0x4e: {  	_ =	swait.ge [sflag:s9], $0x80  }
0x4f: {  	[sflag:s9] =	ssyncset.done $0x0  }
0x50: {  	s14 =	sadd.s32 $0x1, s14  }
0x51: {  	[sflag:s9] =	ssyncadd.s32 $0xFFFFFF80;
	p0 =	sne.s32 s14, s7  }
.Ltmp1:
0x52: {  	[bflag:$0x0] =	sbarrier.arrive $0xFFFF;
	(pc) =	sbr.rel @p0 .LBB2_1-.Ltmp1, $4  }
0x53: {  	[hbm:s6], [sflag:s12] =	dma.local [spmem:s13], $0x50  }
0x54: {  	_ =	swait.ge [sflag:s9], $0x50  }
0x55: {  	[sflag:s9] =	ssyncset.done $0x0  }
0x56: {  	[sflag:s9] =	ssyncadd.s32 $0xFFFFFFB0  }
0x57: {  	_ =	sfence.sel $0x180000  }
0x58: {  	[bflag:$0x0] =	sbarrier.arrive $0xFFFF  }
0x59: {  	p0 =	sne.s32 s0, $0x0;
	_ =	strace $0x90000047  }
0x5a: {  	s0 =	sadd.s32 @!p0 $0x100000, s1;
	[bflag:$0x2] =	sbarrier.arrive $0xFFFF  }
0x5b: {  	[sflag:s0] =	ssyncadd.tile.s32 @!p0 $0x1;
	_ =	shalt  }
.Lfunc_end2:
_tile_overlayer_lowered:
.L_overlay_start_2:
0x5c: {  	(tag) =	ssettag $0x2  }
0x5d: {  	s0 =	rddreg [dreg:$0x0];
	s2 =	stileid.u32  }
0x5e: {  	s1 =	rddreg [dreg:$0x1];
	p0 =	sne.s32 s2, $0x0  }
0x5f: {  	s3 =	rddreg [dreg:$0x2];
	[bflag:$0x3] =	sbarrier.arrive $0xFFFF;
	s2 =	simm.s32 @!p0 $0x1C01  }
0x60: {  	[timem:s3], [sflag:s2] =	dma.local @!p0 [hbm:s0], s1  }
0x61: {  	s0 =	simm.s32 @!p0 $0x1  }
0x62: {  	_ =	swait.ge @!p0 [sflag:s0], s1  }
0x63: {  	s1 =	ssub.s32 @!p0 $0x0, s1;
	[sflag:s0] =	ssyncset.done @!p0 $0x0  }
0x64: {  	[sflag:s0] =	ssyncadd.s32 @!p0 s1  }
0x65: {  	[bflag:$0x3] =	sbarrier.arrive $0xFFFF  }
0x66: {  	_ =	shalt  }

// kernel: kernel.9.cloned.1.call-start
scs
__scs_entry_jumppad:
0x0: {  	(pc) =	sbr.rel $0x88, $3  }
0x1: {  	(tag) =	ssettag $0x0;
	lr =	simm.s32 $0x1  }
0x2: {  	[smem:$0x3F9C] =	sst lr;
	_ =	strace $0xD0000000  }
0x3: {  	_ = 	snop  }
0x4: {  	_ = 	snop  }
0x5: {  	_ = 	snop  }
0x6: {  	_ = 	snop  }
0x7: {  	_ = 	snop  }
__scs_overlays_trampoline_lowered:
0x8: {  	[smem:$0x3FAB] =	sst s0  }
0x9: {  	[smem:$0x3FAC] =	sst s1  }
0xa: {  	[smem:$0x3FAD] =	sst s2  }
0xb: {  	[smem:$0x3FAE] =	sst s3  }
0xc: {  	[smem:$0x3FAF] =	sst s4  }
0xd: {  	[smem:$0x3FB0] =	sst s5  }
0xe: {  	[smem:$0x3FB1] =	sst s6  }
0xf: {  	[smem:$0x3FB2] =	sst s7  }
0x10: {  	[smem:$0x3FB3] =	sst s8  }
0x11: {  	[smem:$0x3FB4] =	sst s9;
	s0 =	simm.s32 @!p0 $0x0  }
0x12: {  	s1 =	sld [smem:$0x3F9A];
	s0 =	simm.s32 @p0 $0x1  }
0x13: {  	[smem:$0x3FB5] =	sst s0;
	s0 =	simm.s32 @!p1 $0x0  }
0x14: {  	s2 =	sld [smem:$0x3F99];
	s0 =	simm.s32 @p1 $0x1  }
0x15: {  	[smem:$0x3FB6] =	sst s0;
	s0 =	simm.s32 @!p2 $0x0  }
0x16: {  	s3 =	sld [smem:$0x3FDB];
	s0 =	simm.s32 @p2 $0x1  }
0x17: {  	s4 =	simm.s32 $0x1BF5;
	[smem:$0x3FB8] =	sst s0  }
0x18: {  	s0 =	sld [smem:$0x3F9B];
	_ =	swait.ge [sflag:s4], $0x0  }
0x19: {  	s7 =	sld [smem:$0x3F9C]  }
0x1a: {  	s8 =	sadd.s32 $0xFFFFE003, lr  }
0x1b: {  	s9 =	sadd.s32 $0xFFFFFEF7, lr;
	s5 =	simm.s32 $0xFFFFFFFF;
	p2 =	slt.u32 s8, $0xFFFFF086  }
0x1c: {  	p1 =	slt.u32 s9, $0xF7A;
	s5 =	simm.s32 @!p2 $0x0  }
0x1d: {  	s5 =	simm.s32 @p1 $0x1;
	p0 =	seq.s32 s7, s2  }
0x1e: {  	s7 =	smul.u32 @!p0 $0xF7A, s2;
	p2 =	seq.s32 @!p0 s5, $0x0  }
0x1f: {  	s9 =	smul.u32 $0xF7A, s1;
	s8 =	simm.s32 @!p0 $0x1BF5;
	p2 =	por !p2, p0  }
0x20: {  	[sflag:s8] =	ssyncset.s32 @!p0 $0xFFFFF086;
	s6 =	sadd.s32 @!p0 s3, s7;
	s7 =	simm.s32 @!p0 $0x108  }
0x21: {  	s3 =	sadd.s32 s3, s9;
	s6 =	sadd.s32 @!p0 $0x88, s6;
	s7 =	simm.s32 @p2 $0x1082  }
0x22: {  	[simem:s7], [sflag:s8] =	dma.local @!p0 [hbm:s6], $0xF7A  }
0x23: {  	s9 =	sor.u32 $0xD0000000, s2;
	s6 =	simm.s32 $0x108;
	_ =	swait.ge @!p0 [sflag:s8], $0x0  }
0x24: {  	s3 =	sadd.s32 $0x88, s3;
	s6 =	simm.s32 @!p1 $0x1082;
	[sflag:s4] =	ssyncset.s32 $0xFFFFF086  }
0x25: {  	[simem:s6], [sflag:s4] =	dma.local [hbm:s3], $0xF7A  }
0x26: {  	[smem:$0x3F9C] =	sst s1;
	(tag) =	ssettag s2;
	_ =	strace s9  }
0x27: {  	s1 =	sld [smem:$0x3FAC]  }
0x28: {  	s2 =	sld [smem:$0x3FAD]  }
0x29: {  	s4 =	sld [smem:$0x3FAF]  }
0x2a: {  	p0 =	seq.s32 s5, $0x0;
	s5 =	sld [smem:$0x3FB0]  }
0x2b: {  	s6 =	sld [smem:$0x3FB1]  }
0x2c: {  	s7 =	sld [smem:$0x3FB2]  }
0x2d: {  	s3 =	simm.s32 $0x108;
	s8 =	sld [smem:$0x3FB3]  }
0x2e: {  	s3 =	simm.s32 @!p0 $0x1082;
	s9 =	sld [smem:$0x3FB4]  }
0x2f: {  	lr =	sadd.s32 s0, s3;
	s0 =	sld [smem:$0x3FAB]  }
0x30: {  	s3 =	sld [smem:$0x3FAE]  }
0x31: {  	[smem:$0x3FB7] =	sst s10  }
0x32: {  	s10 =	sld [smem:$0x3FB5];
	_ =	sdelay $0x3  }
0x33: {  	p0 =	seq.s32 s10, $0x1;
	s10 =	sld [smem:$0x3FB7];
	_ =	sdelay $0x3  }
0x34: {  	[smem:$0x3FB7] =	sst s10  }
0x35: {  	s10 =	sld [smem:$0x3FB6];
	_ =	sdelay $0x3  }
0x36: {  	p1 =	seq.s32 s10, $0x1;
	s10 =	sld [smem:$0x3FB7];
	_ =	sdelay $0x3  }
0x37: {  	[smem:$0x3FB7] =	sst s10  }
0x38: {  	s10 =	sld [smem:$0x3FB8]  }
0x39: {  	_ = 	snop;
	(pc) =	sbr.ind lr, $3  }
0x3a: {  	_ = 	snop  }
0x3b: {  	_ = 	snop  }
0x3c: {  	p2 =	seq.s32 s10, $0x1;
	s10 =	sld [smem:$0x3FB7]  }
0x3d: {  	_ =	shalt  }
0x3e: {  	_ =	shalt  }
0x3f: {  	_ =	shalt  }
0x40: {  	_ =	shalt  }
0x41: {  	_ =	shalt  }
0x42: {  	_ =	shalt  }
0x43: {  	_ =	shalt  }
0x44: {  	_ =	shalt  }
0x45: {  	_ =	shalt  }
0x46: {  	_ =	shalt  }
0x47: {  	_ =	shalt  }
0x48: {  	_ =	shalt  }
0x49: {  	_ =	shalt  }
0x4a: {  	_ =	shalt  }
0x4b: {  	_ =	shalt  }
0x4c: {  	_ =	shalt  }
0x4d: {  	_ =	shalt  }
0x4e: {  	_ =	shalt  }
0x4f: {  	_ =	shalt  }
0x50: {  	_ =	shalt  }
0x51: {  	_ =	shalt  }
0x52: {  	_ =	shalt  }
0x53: {  	_ =	shalt  }
0x54: {  	_ =	shalt  }
0x55: {  	_ =	shalt  }
0x56: {  	_ =	shalt  }
0x57: {  	_ =	shalt  }
0x58: {  	_ =	shalt  }
0x59: {  	_ =	shalt  }
0x5a: {  	_ =	shalt  }
0x5b: {  	_ =	shalt  }
0x5c: {  	_ =	shalt  }
0x5d: {  	_ =	shalt  }
0x5e: {  	_ =	shalt  }
0x5f: {  	_ =	shalt  }
0x60: {  	_ =	shalt  }
0x61: {  	_ =	shalt  }
0x62: {  	_ =	shalt  }
0x63: {  	_ =	shalt  }
0x64: {  	_ =	shalt  }
0x65: {  	_ =	shalt  }
0x66: {  	_ =	shalt  }
0x67: {  	_ =	shalt  }
0x68: {  	_ =	shalt  }
0x69: {  	_ =	shalt  }
0x6a: {  	_ =	shalt  }
0x6b: {  	_ =	shalt  }
0x6c: {  	_ =	shalt  }
0x6d: {  	_ =	shalt  }
0x6e: {  	_ =	shalt  }
0x6f: {  	_ =	shalt  }
0x70: {  	_ =	shalt  }
0x71: {  	_ =	shalt  }
0x72: {  	_ =	shalt  }
0x73: {  	_ =	shalt  }
0x74: {  	_ =	shalt  }
0x75: {  	_ =	shalt  }
0x76: {  	_ =	shalt  }
0x77: {  	_ =	shalt  }
0x78: {  	_ =	shalt  }
0x79: {  	_ =	shalt  }
0x7a: {  	_ =	shalt  }
0x7b: {  	_ =	shalt  }
0x7c: {  	_ =	shalt  }
0x7d: {  	_ =	shalt  }
0x7e: {  	_ =	shalt  }
0x7f: {  	_ =	shalt  }
0x80: {  	_ =	shalt  }
0x81: {  	_ =	shalt  }
0x82: {  	_ =	shalt  }
0x83: {  	_ =	shalt  }
0x84: {  	_ =	shalt  }
0x85: {  	_ =	shalt  }
0x86: {  	_ =	shalt  }
0x87: {  	_ =	shalt  }
.Lfunc_end0:
.L_simem_size_0:
called_computation.1_lowered:
.L_overlay_start_0:
0x88: {  	s2 =	sld [smem:$0x3FD9]  }
0x89: {  	s3 =	sld [smem:$0x3FFE];
	_ =	sdelay $0x1  }
0x8a: {  	s1 =	srdreg.scid  }
0x8b: {  	s0 =	sand.u32 $0x1, s1  }
0x8c: {  	s17 =	sshll.u32 s0, $0xA;
	s2 =	sadd.s32 s3, s2  }
0x8d: {  	s2 =	sadd.s32 s2, s17  }
0x8e: {  	[smem:$0x3FC3] =	sst s2  }
0x8f: {  	_ = 	snop  }
0x90: {  	s2 =	sld [smem:$0x3FD0];
	(tm) =	ssettm $0x1  }
0x91: {  	s18 =	sld [smem:$0x3FFB];
	_ =	sdelay $0x3  }
0x92: {  	_ =	strace s18  }
0x93: {  	s3 =	sld [smem:$0x3FFC];
	_ =	sdelay $0x3  }
0x94: {  	_ =	strace s3  }
0x95: {  	s3 =	sld [smem:$0x3FFD];
	_ =	sdelay $0x3  }
0x96: {  	_ =	strace s3  }
0x97: {  	_ =	strace $0x8FFFFFFF  }
0x98: {  	s19 =	sld [smem:$0x3FDB];
	_ =	sdelay $0x1  }
0x99: {  	s4 =	simm.s32 $_scs_section_size  }
0x9a: {  	s5 =	simm.s32 $_size__tile_overlayer_lowered;
	s6 =	simm.s32 $_tile_overlayer_lowered  }
0x9b: {  	s22 =	simm.s32 $0x1BFF;
	s21 =	sshll.u32 s6, $0x1;
	s3 =	sadd.s32 s4, s19  }
0x9c: {  	s7 =	simm.s32 $0x0;
	s20 =	sshll.u32 s5, $0x1;
	s5 =	sadd.s32 s21, s3  }
0x9d: {  	[timem:s7], [sflag:s22] =	dma.local [hbm:s5], s20  }
0x9e: {  	_ =	swait.ge [sflag:s22], s20  }
0x9f: {  	s4 =	ssub.s32 $0x0, s20;
	[sflag:s22] =	ssyncset.done $0x0  }
0xa0: {  	[sflag:s22] =	ssyncadd.s32 s4;
	_ =	sdelay $0x1  }
0xa1: {  	s23 =	simm.s32 $0x1B8B  }
0xa2: {  	_ =	swait.ge [sflag:s23], $0x1  }
0xa3: {  	[sflag:s23] =	ssyncset.done $0x0  }
0xa4: {  	s25 =	simm.s32 $0x1B8E;
	s24 =	sld [smem:$0x3FFE];
	[sflag:s23] =	ssyncadd.s32 $0xFFFFFFFF  }
0xa5: {  	s26 =	simm.s32 $execute0_lowered;
	[smem:$0x3FD2] =	sst s25  }
0xa6: {  	s5 =	sshll.u32 s26, $0x1;
	_ =	strace $0x80000049;
	[dreg:$0x1] =	wrdreg $0xFFFFFFFF  }
0xa7: {  	s28 =	simm.s32 $_size_execute0_lowered;
	s3 =	sadd.s32 s3, s5;
	[dreg:$0x0] =	wrdreg $0x0  }
0xa8: {  	s5 =	sshll.u32 s28, $0x1;
	[dreg:$0x2] =	wrdreg s3  }
0xa9: {  	[dreg:$0x3] =	wrdreg s5  }
0xaa: {  	[dreg:$0x4] =	wrdreg $0xC0  }
0xab: {  	_ =	task [dreg:s7], $0x5FFFF  }
0xac: {  	[dreg:$0x1] =	wrdreg $0xFFFFFFFF  }
0xad: {  	[dreg:$0x0] =	wrdreg $0x60  }
0xae: {  	[dreg:$0x2] =	wrdreg s2  }
0xaf: {  	[dreg:$0x3] =	wrdreg s24  }
0xb0: {  	[dreg:$0x4] =	wrdreg $0xA8000  }
0xb1: {  	[dreg:$0x5] =	wrdreg $0x9  }
0xb2: {  	_ =	task.clear_ibuf [dreg:s7], $0x6FFFF;
	_ =	strace $0x90000049  }
0xb3: {  	s29 =	simm.s32 $0x9;
	_ =	strace $0x8000004B  }
0xb4: {  	_ =	swait.ge [sflag:s29], $0x1  }
0xb5: {  	[sflag:s29] =	ssyncadd.s32 $0xFFFFFFFF  }
0xb6: {  	_ =	strace $0x9000004B  }
0xb7: {  	_ =	sfence  }
0xb8: {  	s30 =	sld [smem:$0x0];
	_ =	sdelay $0x2  }
0xb9: {  	s31 =	sshll.u32 s1, $0xD;
	s1 =	sshrl.u32 s1, $0x2  }
0xba: {  	s3 =	sand.u32 $0x4000, s31;
	s1 =	sadd.s32 s1, s30  }
0xbb: {  	s0 =	sor.u32 s3, s0;
	s1 =	sshll.u32 s1, $0x11  }
0xbc: {  	s0 =	sor.u32 s1, s0  }
0xbd: {  	s0 =	sadd.s32 $0x8F2B, s0  }
0xbe: {  	[sflag:s0] =	ssyncadd.remote.s32 $0x1  }
0xbf: {  	_ =	sfence.sel $0xFFFF  }
0xc0: {  	[dreg:$0x0] =	wrdreg $0xFFFFFFFF;
	(pc) =	sbr.abs _section_cstart, $3  }
0xc1: {  	[dreg:$0x1] =	wrdreg $0xFFFFFFFF  }
0xc2: {  	_ =	task.clear_ibuf [dreg:s7], $0x2FFFF;
	_ =	strace $0x9FFFFFFF  }
0xc3: {  	(tm) =	ssettm $0x7FFFFFFF  }
tec
execute0_lowered:
.L_overlay_start_1:
0x0: {  	(tag) =	ssettag $0x1  }
0x1: {  	s1 =	rddreg [dreg:$0x0]  }
0x2: {  	s0 =	rddreg [dreg:$0x1]  }
0x3: {  	s2 =	rddreg [dreg:$0x2]  }
0x4: {  	s3 =	srdreg.scid;
	s4 =	simm.s32 $0x0;
	s10 =	stileid.u32  }
0x5: {  	s28 =	simm.s32 $0x6800;
	s29 =	simm.s32 $0x180;
	s7 =	smul.u32 $0x2800, s10  }
0x6: {  	s30 =	simm.s32 $0x8800;
	s3 =	sand.u32 $0x1, s3;
	s8 =	smul.u32 $0x50000, s10  }
0x7: {  	[smem:$0x7FF] =	sst s4;
	s6 =	smul.u32 $0x28000, s3;
	s17 =	ssub.s32 $0x2, s3  }
0x8: {  	s5 =	sadd.s32 $0x16800, s0;
	_ =	strace $0x8000004A;
	s9 =	sshrl.u32 s17, $0x1  }
0x9: {  	s8 =	sshrl.u32 s8, $0x2;
	s7 =	sadd.s32 s7, s6;
	s9 =	ssub.s32 s17, s9  }
0xa: {  	s6 =	sadd.s32 $0x2800, s0;
	s0 =	sadd.s32 s7, s0;
	s18 =	smax.u32 s9, $0x1  }
0xb: {  	s7 =	sadd.s32 s8, s2;
	s0 =	sadd.s32 $0x2A800, s0;
	[dreg:$0x5] =	wrdreg s18  }
0xc: {  	s31 =	simm.s32 $0x1;
	s19 =	sadd.s32 $0x2000, s7;
	[dreg:$0x4] =	wrdreg s0  }
0xd: {  	s11 =	simm.s32 $0x2680;
	s20 =	sadd.s32 $0x4000, s7;
	[dreg:$0x6] =	wrdreg s19  }
0xe: {  	s12 =	simm.s32 $0x2700;
	s21 =	sadd.s32 $0x6000, s7;
	[dreg:$0x7] =	wrdreg s20  }
0xf: {  	s13 =	simm.s32 $0x2780;
	s22 =	sadd.s32 $0x8000, s7;
	[dreg:$0x8] =	wrdreg s21  }
0x10: {  	s10 =	sshll.u32 s10, $0x1;
	s23 =	sadd.s32 $0xA000, s7;
	[dreg:$0x9] =	wrdreg s22  }
0x11: {  	s3 =	sor.u32 s3, s10;
	s24 =	sadd.s32 $0xC000, s7;
	[dreg:$0xa] =	wrdreg s23  }
0x12: {  	s10 =	simm.s32 $0x2600;
	s25 =	sadd.s32 $0xE000, s7;
	[dreg:$0xb] =	wrdreg s24  }
0x13: {  	s8 =	smul.u32 $0x5000, s3;
	s26 =	sadd.s32 $0x10000, s7;
	[dreg:$0xc] =	wrdreg s25  }
0x14: {  	s3 =	simm.s32 $0x3;
	s9 =	simm.s32 $0x4;
	[dreg:$0xd] =	wrdreg s26  }
0x15: {  	s19 =	sadd.s32 $0x12000, s7;
	s20 =	simm.s32 $0x2800;
	s21 =	simm.s32 $0x5  }
0x16: {  	s22 =	simm.s32 $0x1400;
	s23 =	simm.s32 $0x40;
	s24 =	simm.s32 $0x80  }
0x17: {  	v0 =	vimm.f32 $0.0e+00;
	s25 =	simm.s32 $0x4800;
	s26 =	simm.s32 $0x100;
	s0 =	simm.s32 $0x2  }
.LBB2_1:
0x18: {  	s14 =	simm.s32 $0x0;
	s15 =	simm.s32 $0x200  }
.LBB2_2:
0x19: {  	p0 =	sne.s32 s15, $0x7E00;
	[tilespmem:s14+$0x2870] =	vst v0  }
0x1a: {  	[tilespmem:s14+$0x2800] =	vst v0  }
0x1b: {  	[tilespmem:s14+$0x2810] =	vst v0  }
.Ltmp0:
0x1c: {  	[tilespmem:s14+$0x2820] =	vst v0;
	(pc) =	sbr.rel @p0 .LBB2_2-.Ltmp0, $4  }
0x1d: {  	[tilespmem:s14+$0x2830] =	vst v0  }
0x1e: {  	[tilespmem:s14+$0x2840] =	vst v0  }
0x1f: {  	[tilespmem:s14+$0x2850] =	vst v0  }
0x20: {  	[tilespmem:s14+$0x2860] =	vst v0;
	s14 =	sshra.s32 s15, $0x2;
	s15 =	sadd.s32 $0x200, s15  }
0x21: {  	[tilespmem:s14+$0x2870] =	vst v0  }
0x22: {  	[tilespmem:s14+$0x2800] =	vst v0  }
0x23: {  	[tilespmem:s14+$0x2810] =	vst v0  }
0x24: {  	[tilespmem:s14+$0x2820] =	vst v0  }
0x25: {  	[tilespmem:s14+$0x2830] =	vst v0  }
0x26: {  	[tilespmem:s14+$0x2840] =	vst v0  }
0x27: {  	[tilespmem:s14+$0x2850] =	vst v0  }
0x28: {  	[tilespmem:s14+$0x2860] =	vst v0  }
0x29: {  	[spmem:s7] =	stream.linear.scatter [tilespmem:s20], [sflag:$0x5], $0x2000, $0x38;
	[tilespmem:$0x1E800] =	vst v63  }
0x2a: {  	_ =	swait.ge [sflag:s21], $0x2000  }
0x2b: {  	[sflag:s21] =	ssyncset.done $0x0  }
0x2c: {  	s15 =	rddreg [dreg:$0x6];
	[sflag:s21] =	ssyncadd.s32 $0xFFFFE000  }
0x2d: {  	[spmem:s15] =	stream.linear.scatter [tilespmem:s20], [sflag:$0x5], $0x2000, $0x38;
	[tilespmem:$0x1E800] =	vst v63  }
0x2e: {  	_ =	swait.ge [sflag:s21], $0x2000  }
0x2f: {  	[sflag:s21] =	ssyncset.done $0x0  }
0x30: {  	s16 =	rddreg [dreg:$0x7];
	[sflag:s21] =	ssyncadd.s32 $0xFFFFE000  }
0x31: {  	[spmem:s16] =	stream.linear.scatter [tilespmem:s20], [sflag:$0x5], $0x2000, $0x38;
	[tilespmem:$0x1E800] =	vst v63  }
0x32: {  	_ =	swait.ge [sflag:s21], $0x2000  }
0x33: {  	[sflag:s21] =	ssyncset.done $0x0  }
0x34: {  	s17 =	rddreg [dreg:$0x8];
	[sflag:s21] =	ssyncadd.s32 $0xFFFFE000  }
0x35: {  	[spmem:s17] =	stream.linear.scatter [tilespmem:s20], [sflag:$0x5], $0x2000, $0x38;
	[tilespmem:$0x1E800] =	vst v63  }
0x36: {  	_ =	swait.ge [sflag:s21], $0x2000  }
0x37: {  	[sflag:s21] =	ssyncset.done $0x0  }
0x38: {  	s18 =	rddreg [dreg:$0x9];
	[sflag:s21] =	ssyncadd.s32 $0xFFFFE000  }
0x39: {  	[spmem:s18] =	stream.linear.scatter [tilespmem:s20], [sflag:$0x5], $0x2000, $0x38;
	[tilespmem:$0x1E800] =	vst v63  }
0x3a: {  	_ =	swait.ge [sflag:s21], $0x2000  }
0x3b: {  	[sflag:s21] =	ssyncset.done $0x0  }
0x3c: {  	s15 =	rddreg [dreg:$0xa];
	[sflag:s21] =	ssyncadd.s32 $0xFFFFE000  }
0x3d: {  	[spmem:s15] =	stream.linear.scatter [tilespmem:s20], [sflag:$0x5], $0x2000, $0x38;
	[tilespmem:$0x1E800] =	vst v63  }
0x3e: {  	_ =	swait.ge [sflag:s21], $0x2000  }
0x3f: {  	[sflag:s21] =	ssyncset.done $0x0  }
0x40: {  	s16 =	rddreg [dreg:$0xb];
	[sflag:s21] =	ssyncadd.s32 $0xFFFFE000  }
0x41: {  	[spmem:s16] =	stream.linear.scatter [tilespmem:s20], [sflag:$0x5], $0x2000, $0x38;
	[tilespmem:$0x1E800] =	vst v63  }
0x42: {  	_ =	swait.ge [sflag:s21], $0x2000  }
0x43: {  	[sflag:s21] =	ssyncset.done $0x0  }
0x44: {  	s17 =	rddreg [dreg:$0xc];
	[sflag:s21] =	ssyncadd.s32 $0xFFFFE000  }
0x45: {  	[spmem:s17] =	stream.linear.scatter [tilespmem:s20], [sflag:$0x5], $0x2000, $0x38;
	[tilespmem:$0x1E800] =	vst v63  }
0x46: {  	_ =	swait.ge [sflag:s21], $0x2000  }
0x47: {  	[sflag:s21] =	ssyncset.done $0x0  }
0x48: {  	s18 =	rddreg [dreg:$0xd];
	[sflag:s21] =	ssyncadd.s32 $0xFFFFE000  }
0x49: {  	[spmem:s18] =	stream.linear.scatter [tilespmem:s20], [sflag:$0x5], $0x2000, $0x38;
	[tilespmem:$0x1E800] =	vst v63  }
0x4a: {  	_ =	swait.ge [sflag:s21], $0x2000  }
0x4b: {  	[sflag:s21] =	ssyncset.done $0x0  }
0x4c: {  	[sflag:s21] =	ssyncadd.s32 $0xFFFFE000  }
0x4d: {  	[spmem:s19] =	stream.linear.scatter [tilespmem:s20], [sflag:$0x5], $0x2000, $0x38;
	[tilespmem:$0x1E800] =	vst v63  }
0x4e: {  	_ =	swait.ge [sflag:s21], $0x2000  }
0x4f: {  	[sflag:s21] =	ssyncset.done $0x0  }
0x50: {  	[sflag:s21] =	ssyncadd.s32 $0xFFFFE000  }
0x51: {  	s14 =	simm.s32 $0x0;
	s15 =	simm.s32 $0x0;
	[bflag:$0x0] =	sbarrier.arrive $0xFFFF  }
.LBB2_4:
0x52: {  	s16 =	smul.u32 $0x1400, s15;
	_ =	sdelay $0x1  }
0x53: {  	s16 =	sadd.s32 s8, s16  }
0x54: {  	s16 =	sshrl.u32 s16, $0x3  }
0x55: {  	s17 =	sadd.s32 s5, s16  }
0x56: {  	[tilespmem:s14], [sflag:$0x5] =	stream.linear.gather [hbm4b:s17+s14], $0x1400, $0x38;
	[tilespmem:$0x1E800] =	vst v63  }
0x57: {  	_ =	swait.ge [sflag:s21], $0x1400  }
0x58: {  	[sflag:s21] =	ssyncset.done $0x0  }
0x59: {  	s16 =	sadd.s32 s6, s16;
	[sflag:s21] =	ssyncadd.s32 $0xFFFFEC00  }
0x5a: {  	[tilespmem:s22], [sflag:$0x5] =	stream.linear.gather [hbm4b:s16+s14], $0x1400, $0x38;
	[tilespmem:$0x1E800] =	vst v63  }
0x5b: {  	_ =	swait.ge [sflag:s21], $0x1400  }
0x5c: {  	[sflag:s21] =	ssyncset.done $0x0  }
0x5d: {  	[sflag:s21] =	ssyncadd.s32 $0xFFFFEC00  }
0x5e: {  	[tilespmem:s20], [sflag:$0x1] =	stream.indirect.gather [hbm4b:s1+s23], $0x80, s14, s23, $0xb8;
	[tilespmem:$0x1E800] =	vst v63  }
0x5f: {  	_ = 	snop  }
0x60: {  	[tilespmem:s25], [sflag:$0x2] =	stream.indirect.gather [hbm4b:s1+s23], $0x80, s24, s23, $0xb8;
	[tilespmem:$0x1E800] =	vst v63  }
0x61: {  	_ = 	snop  }
0x62: {  	[tilespmem:s28], [sflag:$0x3] =	stream.indirect.gather [hbm4b:s1+s23], $0x80, s26, s23, $0xb8;
	[tilespmem:$0x1E800] =	vst v63  }
0x63: {  	_ = 	snop  }
0x64: {  	[tilespmem:s30], [sflag:$0x4] =	stream.indirect.gather [hbm4b:s1+s23], $0x80, s29, s23, $0xb8;
	[tilespmem:$0x1E800] =	vst v63  }
0x65: {  	_ =	swait.ge [sflag:s31], $0x2000  }
0x66: {  	[sflag:s31] =	ssyncset.done $0x0  }
0x67: {  	s18 =	simm.s32 $0x1400;
	[sflag:s31] =	ssyncadd.s32 $0xFFFFE000  }
0x68: {  	[spmem:s2] =	stream.indirect.scatter.add.f32 [tilespmem:s20], [sflag:$0x5], $0x80, s18, s23, $0xb8;
	[tilespmem:$0x1E800] =	vst v63  }
0x69: {  	_ =	swait.ge [sflag:s21], $0x2000  }
0x6a: {  	[sflag:s21] =	ssyncset.done $0x0  }
0x6b: {  	s17 =	simm.s32 $0x200;
	[sflag:s21] =	ssyncadd.s32 $0xFFFFE000  }
0x6c: {  	[tilespmem:s20], [sflag:$0x1] =	stream.indirect.gather [hbm4b:s1+s23], $0x80, s17, s23, $0xb8;
	[tilespmem:$0x1E800] =	vst v63  }
0x6d: {  	_ =	swait.ge [sflag:s0], $0x2000  }
0x6e: {  	[sflag:s0] =	ssyncset.done $0x0  }
0x6f: {  	s18 =	simm.s32 $0x1480;
	[sflag:s0] =	ssyncadd.s32 $0xFFFFE000  }
0x70: {  	[spmem:s2] =	stream.indirect.scatter.add.f32 [tilespmem:s25], [sflag:$0x5], $0x80, s18, s23, $0xb8;
	[tilespmem:$0x1E800] =	vst v63  }
0x71: {  	_ =	swait.ge [sflag:s21], $0x2000  }
0x72: {  	[sflag:s21] =	ssyncset.done $0x0  }
0x73: {  	s17 =	simm.s32 $0x280;
	[sflag:s21] =	ssyncadd.s32 $0xFFFFE000  }
0x74: {  	[tilespmem:s25], [sflag:$0x2] =	stream.indirect.gather [hbm4b:s1+s23], $0x80, s17, s23, $0xb8;
	[tilespmem:$0x1E800] =	vst v63  }
0x75: {  	_ =	swait.ge [sflag:s3], $0x2000  }
0x76: {  	[sflag:s3] =	ssyncset.done $0x0  }
0x77: {  	s18 =	simm.s32 $0x1500;
	[sflag:s3] =	ssyncadd.s32 $0xFFFFE000  }
0x78: {  	[spmem:s2] =	stream.indirect.scatter.add.f32 [tilespmem:s28], [sflag:$0x5], $0x80, s18, s23, $0xb8;
	[tilespmem:$0x1E800] =	vst v63  }
0x79: {  	_ =	swait.ge [sflag:s21], $0x2000  }
0x7a: {  	[sflag:s21] =	ssyncset.done $0x0  }
0x7b: {  	s17 =	simm.s32 $0x300;
	[sflag:s21] =	ssyncadd.s32 $0xFFFFE000  }
0x7c: {  	[tilespmem:s28], [sflag:$0x3] =	stream.indirect.gather [hbm4b:s1+s23], $0x80, s17, s23, $0xb8;
	[tilespmem:$0x1E800] =	vst v63  }
0x7d: {  	_ =	swait.ge [sflag:s9], $0x2000  }
0x7e: {  	[sflag:s9] =	ssyncset.done $0x0  }
0x7f: {  	s18 =	simm.s32 $0x1580;
	[sflag:s9] =	ssyncadd.s32 $0xFFFFE000  }
0x80: {  	[spmem:s2] =	stream.indirect.scatter.add.f32 [tilespmem:s30], [sflag:$0x5], $0x80, s18, s23, $0xb8;
	[tilespmem:$0x1E800] =	vst v63  }
0x81: {  	_ =	swait.ge [sflag:s21], $0x2000  }
0x82: {  	[sflag:s21] =	ssyncset.done $0x0  }
0x83: {  	s16 =	simm.s32 $0x800;
	s17 =	simm.s32 $0x380;
	[sflag:s21] =	ssyncadd.s32 $0xFFFFE000  }
.LBB2_5:
0x84: {  	[tilespmem:s30], [sflag:$0x4] =	stream.indirect.gather [hbm4b:s1+s23], $0x80, s17, s23, $0xb8;
	[tilespmem:$0x1E800] =	vst v63  }
0x85: {  	s17 =	smov.u32 s16  }
0x86: {  	p0 =	sne.s32 s16, $0x4000;
	s16 =	sadd.s32 $0x800, s16;
	_ =	swait.ge [sflag:s31], $0x2000  }
0x87: {  	s17 =	sshra.s32 s17, $0x2;
	[sflag:s31] =	ssyncset.done $0x0  }
0x88: {  	s18 =	sadd.s32 $0x1400, s17;
	[sflag:s31] =	ssyncadd.s32 $0xFFFFE000  }
0x89: {  	[spmem:s2] =	stream.indirect.scatter.add.f32 [tilespmem:s20], [sflag:$0x5], $0x80, s18, s23, $0xb8;
	[tilespmem:$0x1E800] =	vst v63  }
0x8a: {  	_ =	swait.ge [sflag:s21], $0x2000  }
0x8b: {  	[sflag:s21] =	ssyncset.done $0x0  }
0x8c: {  	s18 =	sadd.s32 $0x200, s17;
	[sflag:s21] =	ssyncadd.s32 $0xFFFFE000  }
0x8d: {  	[tilespmem:s20], [sflag:$0x1] =	stream.indirect.gather [hbm4b:s1+s23], $0x80, s18, s23, $0xb8;
	[tilespmem:$0x1E800] =	vst v63  }
0x8e: {  	_ =	swait.ge [sflag:s0], $0x2000  }
0x8f: {  	[sflag:s0] =	ssyncset.done $0x0  }
0x90: {  	s18 =	sadd.s32 $0x1480, s17;
	[sflag:s0] =	ssyncadd.s32 $0xFFFFE000  }
0x91: {  	[spmem:s2] =	stream.indirect.scatter.add.f32 [tilespmem:s25], [sflag:$0x5], $0x80, s18, s23, $0xb8;
	[tilespmem:$0x1E800] =	vst v63  }
0x92: {  	_ =	swait.ge [sflag:s21], $0x2000  }
0x93: {  	[sflag:s21] =	ssyncset.done $0x0  }
0x94: {  	s18 =	sadd.s32 $0x280, s17;
	[sflag:s21] =	ssyncadd.s32 $0xFFFFE000  }
0x95: {  	[tilespmem:s25], [sflag:$0x2] =	stream.indirect.gather [hbm4b:s1+s23], $0x80, s18, s23, $0xb8;
	[tilespmem:$0x1E800] =	vst v63  }
0x96: {  	_ =	swait.ge [sflag:s3], $0x2000  }
0x97: {  	[sflag:s3] =	ssyncset.done $0x0  }
0x98: {  	s18 =	sadd.s32 $0x1500, s17;
	[sflag:s3] =	ssyncadd.s32 $0xFFFFE000  }
0x99: {  	[spmem:s2] =	stream.indirect.scatter.add.f32 [tilespmem:s28], [sflag:$0x5], $0x80, s18, s23, $0xb8;
	[tilespmem:$0x1E800] =	vst v63  }
0x9a: {  	_ =	swait.ge [sflag:s21], $0x2000  }
0x9b: {  	[sflag:s21] =	ssyncset.done $0x0  }
0x9c: {  	s18 =	sadd.s32 $0x300, s17;
	[sflag:s21] =	ssyncadd.s32 $0xFFFFE000  }
0x9d: {  	[tilespmem:s28], [sflag:$0x3] =	stream.indirect.gather [hbm4b:s1+s23], $0x80, s18, s23, $0xb8;
	[tilespmem:$0x1E800] =	vst v63  }
0x9e: {  	_ =	swait.ge [sflag:s9], $0x2000  }
0x9f: {  	[sflag:s9] =	ssyncset.done $0x0  }
.Ltmp1:
0xa0: {  	s18 =	sadd.s32 $0x1580, s17;
	[sflag:s9] =	ssyncadd.s32 $0xFFFFE000;
	(pc) =	sbr.rel @p0 .LBB2_5-.Ltmp1, $4  }
0xa1: {  	[spmem:s2] =	stream.indirect.scatter.add.f32 [tilespmem:s30], [sflag:$0x5], $0x80, s18, s23, $0xb8;
	[tilespmem:$0x1E800] =	vst v63  }
0xa2: {  	_ =	swait.ge [sflag:s21], $0x2000  }
0xa3: {  	[sflag:s21] =	ssyncset.done $0x0  }
0xa4: {  	s17 =	sadd.s32 $0x380, s17;
	[sflag:s21] =	ssyncadd.s32 $0xFFFFE000  }
0xa5: {  	[tilespmem:s30], [sflag:$0x4] =	stream.indirect.gather [hbm4b:s1+s23], $0x80, s17, s23, $0xb8;
	[tilespmem:$0x1E800] =	vst v63  }
0xa6: {  	_ =	swait.ge [sflag:s31], $0x2000  }
0xa7: {  	[sflag:s31] =	ssyncset.done $0x0  }
0xa8: {  	[sflag:s31] =	ssyncadd.s32 $0xFFFFE000  }
0xa9: {  	[spmem:s2] =	stream.indirect.scatter.add.f32 [tilespmem:s20], [sflag:$0x5], $0x80, s10, s23, $0xb8;
	[tilespmem:$0x1E800] =	vst v63  }
0xaa: {  	_ =	swait.ge [sflag:s21], $0x2000  }
0xab: {  	[sflag:s21] =	ssyncset.done $0x0  }
0xac: {  	[sflag:s21] =	ssyncadd.s32 $0xFFFFE000  }
0xad: {  	_ =	swait.ge [sflag:s0], $0x2000  }
0xae: {  	[sflag:s0] =	ssyncset.done $0x0  }
0xaf: {  	[sflag:s0] =	ssyncadd.s32 $0xFFFFE000  }
0xb0: {  	[spmem:s2] =	stream.indirect.scatter.add.f32 [tilespmem:s25], [sflag:$0x5], $0x80, s11, s23, $0xb8;
	[tilespmem:$0x1E800] =	vst v63  }
0xb1: {  	_ =	swait.ge [sflag:s21], $0x2000  }
0xb2: {  	[sflag:s21] =	ssyncset.done $0x0  }
0xb3: {  	[sflag:s21] =	ssyncadd.s32 $0xFFFFE000  }
0xb4: {  	_ =	swait.ge [sflag:s3], $0x2000  }
0xb5: {  	[sflag:s3] =	ssyncset.done $0x0  }
0xb6: {  	[sflag:s3] =	ssyncadd.s32 $0xFFFFE000  }
0xb7: {  	[spmem:s2] =	stream.indirect.scatter.add.f32 [tilespmem:s28], [sflag:$0x5], $0x80, s12, s23, $0xb8;
	[tilespmem:$0x1E800] =	vst v63  }
0xb8: {  	_ =	swait.ge [sflag:s21], $0x2000  }
0xb9: {  	[sflag:s21] =	ssyncset.done $0x0  }
0xba: {  	[sflag:s21] =	ssyncadd.s32 $0xFFFFE000  }
0xbb: {  	s15 =	sadd.s32 $0x1, s15;
	_ =	swait.ge [sflag:s9], $0x2000  }
0xbc: {  	p0 =	sne.s32 s15, $0x4;
	[sflag:s9] =	ssyncset.done $0x0  }
.Ltmp2:
0xbd: {  	[sflag:s9] =	ssyncadd.s32 $0xFFFFE000;
	(pc) =	sbr.rel @p0 .LBB2_4-.Ltmp2, $4  }
0xbe: {  	[spmem:s2] =	stream.indirect.scatter.add.f32 [tilespmem:s30], [sflag:$0x5], $0x80, s13, s23, $0xb8;
	[tilespmem:$0x1E800] =	vst v63  }
0xbf: {  	_ =	swait.ge [sflag:s21], $0x2000  }
0xc0: {  	[sflag:s21] =	ssyncset.done $0x0  }
0xc1: {  	[sflag:s21] =	ssyncadd.s32 $0xFFFFE000  }
0xc2: {  	s14 =	stileid.u32  }
0xc3: {  	[bflag:$0x0] =	sbarrier.arrive $0xFFFF;
	s14 =	sshll.u32 s14, $0x6  }
0xc4: {  	s15 =	sshrl.u32 s7, $0x3;
	s16 =	rddreg [dreg:$0x4];
	s14 =	sor.u32 $0x1C05, s14  }
0xc5: {  	[hbm:s16], [sflag:s14] =	dma.local [spmem:s15], $0x2800  }
0xc6: {  	_ =	swait.ge [sflag:s21], $0x2800  }
0xc7: {  	s4 =	sadd.s32 $0x1, s4;
	s18 =	rddreg [dreg:$0x5]  }
0xc8: {  	p0 =	sne.s32 s4, s18  }
.Ltmp3:
0xc9: {  	_ = 	snop;
	(pc) =	sbr.rel @p0 .LBB2_1-.Ltmp3, $3  }
0xca: {  	_ =	sdelay $0x1  }
0xcb: {  	[sflag:s21] =	ssyncset.done $0x0  }
0xcc: {  	[sflag:s21] =	ssyncadd.s32 $0xFFFFD800  }
0xcd: {  	_ =	sfence.sel $0x180000  }
0xce: {  	[bflag:$0x0] =	sbarrier.arrive $0xFFFF  }
0xcf: {  	_ =	strace $0x9000004A  }
0xd0: {  	s0 =	stileid.u32;
	[bflag:$0x2] =	sbarrier.arrive $0xFFFF  }
0xd1: {  	p0 =	sne.s32 s0, $0x0;
	s0 =	rddreg [dreg:$0x3]  }
0xd2: {  	s0 =	sadd.s32 @!p0 $0x100000, s0  }
0xd3: {  	[sflag:s0] =	ssyncadd.tile.s32 @!p0 $0x1;
	_ =	shalt  }
.Lfunc_end2:
_tile_overlayer_lowered:
.L_overlay_start_2:
0xd4: {  	(tag) =	ssettag $0x2  }
0xd5: {  	s0 =	rddreg [dreg:$0x0];
	s2 =	stileid.u32  }
0xd6: {  	s1 =	rddreg [dreg:$0x1];
	p0 =	sne.s32 s2, $0x0  }
0xd7: {  	s3 =	rddreg [dreg:$0x2];
	[bflag:$0x3] =	sbarrier.arrive $0xFFFF;
	s2 =	simm.s32 @!p0 $0x1C05  }
0xd8: {  	[timem:s3], [sflag:s2] =	dma.local @!p0 [hbm:s0], s1  }
0xd9: {  	s0 =	simm.s32 @!p0 $0x5  }
0xda: {  	_ =	swait.ge @!p0 [sflag:s0], s1  }
0xdb: {  	s1 =	ssub.s32 @!p0 $0x0, s1;
	[sflag:s0] =	ssyncset.done @!p0 $0x0  }
0xdc: {  	[sflag:s0] =	ssyncadd.s32 @!p0 s1  }
0xdd: {  	[bflag:$0x3] =	sbarrier.arrive $0xFFFF  }
0xde: {  	_ =	shalt  }

</sc_bundles>
